<compile_context>
chip_gen: v7x
topology: tpu7x:2x2x1
jax: 0.10.2.dev20260603
libtpu: 0.0.44.dev20260713+nightly
codegen_flags: <defaults>
</compile_context>

<pallas_src>
import functools

import jax
import jax.numpy as jnp
from jax import lax
from jax.experimental import pallas as pl
from jax.experimental.pallas import tpu as pltpu
from jax.experimental.pallas import tpu_sc as plsc

N = 10000
E = 320000
D = 128
N_PAD = 10240
NC = 2
NS = 16
NW = NC * NS

EPW = E // NW
B = 112
NFULL = EPW // B
TAIL = EPW - NFULL * B
RPT_M = N // NS

EPT = E // NS
BD = 128
CPT = EPT // BD
BD_TAIL = EPT - CPT * BD
RPT_D = N_PAD // NS

RBLK = 2560


def _sc_mesh():
    return plsc.VectorSubcoreMesh(
        core_axis_name="c", subcore_axis_name="s", num_cores=NC, num_subcores=NS
    )


def _deg_kernel_body(src_hbm, dst_hbm, ones_hbm, zeros_hbm, deg_hbm,
                     idx_v, ones_v, dacc, semA, semB):
    c = lax.axis_index("c")
    s = lax.axis_index("s")
    pltpu.sync_copy(
        zeros_hbm.at[pl.ds(s * RPT_D, RPT_D)], dacc.at[pl.ds(s * RPT_D, RPT_D)]
    )
    pltpu.sync_copy(ones_hbm, ones_v)

    @pl.when(c == 0)
    def _():
        pltpu.sync_copy(src_hbm.at[pl.ds(s * EPT, EPT)], idx_v)

    @pl.when(c == 1)
    def _():
        pltpu.sync_copy(dst_hbm.at[pl.ds(s * EPT, EPT)], idx_v)

    plsc.subcore_barrier()

    def _scat(j, sem):
        return pltpu.async_copy(
            ones_v, dacc.at[idx_v.at[pl.ds(j * BD, BD)]], sem, add=True
        )

    def _scat_wait(j, sem):
        pltpu.make_async_copy(
            ones_v, dacc.at[idx_v.at[pl.ds(j * BD, BD)]], sem
        ).wait()

    _scat(0, semA)

    def body(g, carry):
        j = 2 * g
        _scat(j + 1, semB)
        _scat_wait(j, semA)
        _scat(j + 2, semA)
        _scat_wait(j + 1, semB)
        return carry

    lax.fori_loop(0, CPT // 2 - 1, body, 0)
    _scat_wait(CPT - 2, semA)
    _scat(CPT - 1, semB)
    pltpu.async_copy(
        ones_v.at[pl.ds(0, BD_TAIL)],
        dacc.at[idx_v.at[pl.ds(CPT * BD, BD_TAIL)]],
        semA,
        add=True,
    )
    _scat_wait(CPT - 1, semB)
    pltpu.make_async_copy(
        ones_v.at[pl.ds(0, BD_TAIL)],
        dacc.at[idx_v.at[pl.ds(CPT * BD, BD_TAIL)]],
        semA,
    ).wait()

    plsc.subcore_barrier()
    pltpu.sync_copy(
        dacc.at[pl.ds(s * RPT_D, RPT_D)], deg_hbm.at[c, pl.ds(s * RPT_D, RPT_D)]
    )


def _make_deg_kernel():
    return functools.partial(
        pl.kernel,
        out_type=jax.ShapeDtypeStruct((NC, N_PAD, 8), jnp.float32),
        mesh=_sc_mesh(),
        scratch_types=[
            pltpu.VMEM((EPT,), jnp.int32),
            pltpu.VMEM((BD, 8), jnp.float32),
            pltpu.VMEM_SHARED((N_PAD, 8), jnp.float32),
            pltpu.SemaphoreType.DMA,
            pltpu.SemaphoreType.DMA,
        ],
        compiler_params=pltpu.CompilerParams(use_tc_tiling_on_sc=False),
    )(_deg_kernel_body)


def _msg_kernel_body(
    h_hbm, src_hbm, dst_hbm, zeros_hbm, out_hbm,
    src_v, dst_v, buf0, buf1, acc, sem0, sem1
):
    c = lax.axis_index("c")
    s = lax.axis_index("s")
    w = s * NC + c
    pltpu.sync_copy(src_hbm.at[pl.ds(w * EPW, EPW)], src_v)
    pltpu.sync_copy(dst_hbm.at[pl.ds(w * EPW, EPW)], dst_v)
    pltpu.sync_copy(
        zeros_hbm.at[pl.ds(s * RPT_M, RPT_M)], acc.at[pl.ds(s * RPT_M, RPT_M)]
    )
    plsc.subcore_barrier()

    pltpu.async_copy(h_hbm.at[src_v.at[pl.ds(0, B)]], buf0, sem0)

    def body(g, carry):
        j = 2 * g
        pltpu.async_copy(h_hbm.at[src_v.at[pl.ds((j + 1) * B, B)]], buf1, sem1)
        pltpu.make_async_copy(
            h_hbm.at[src_v.at[pl.ds(j * B, B)]], buf0, sem0
        ).wait()
        pltpu.sync_copy(buf0, acc.at[dst_v.at[pl.ds(j * B, B)]], add=True)
        pltpu.async_copy(h_hbm.at[src_v.at[pl.ds((j + 2) * B, B)]], buf0, sem0)
        pltpu.make_async_copy(
            h_hbm.at[src_v.at[pl.ds((j + 1) * B, B)]], buf1, sem1
        ).wait()
        pltpu.sync_copy(buf1, acc.at[dst_v.at[pl.ds((j + 1) * B, B)]], add=True)
        return carry

    lax.fori_loop(0, (NFULL - 1) // 2, body, 0)
    pltpu.async_copy(
        h_hbm.at[src_v.at[pl.ds(NFULL * B, TAIL)]], buf1.at[pl.ds(0, TAIL)], sem1
    )
    pltpu.make_async_copy(
        h_hbm.at[src_v.at[pl.ds((NFULL - 1) * B, B)]], buf0, sem0
    ).wait()
    pltpu.sync_copy(buf0, acc.at[dst_v.at[pl.ds((NFULL - 1) * B, B)]], add=True)
    pltpu.make_async_copy(
        h_hbm.at[src_v.at[pl.ds(NFULL * B, TAIL)]], buf1.at[pl.ds(0, TAIL)], sem1
    ).wait()
    pltpu.sync_copy(
        buf1.at[pl.ds(0, TAIL)],
        acc.at[dst_v.at[pl.ds(NFULL * B, TAIL)]],
        add=True,
    )
    plsc.subcore_barrier()
    pltpu.sync_copy(
        acc.at[pl.ds(s * RPT_M, RPT_M)], out_hbm.at[c, pl.ds(s * RPT_M, RPT_M)]
    )


def _make_msg_kernel():
    return functools.partial(
        pl.kernel,
        out_type=jax.ShapeDtypeStruct((NC, N, D), jnp.float32),
        mesh=_sc_mesh(),
        scratch_types=[
            pltpu.VMEM((EPW,), jnp.int32),
            pltpu.VMEM((EPW,), jnp.int32),
            pltpu.VMEM((B, D), jnp.float32),
            pltpu.VMEM((B, D), jnp.float32),
            pltpu.VMEM_SHARED((N, D), jnp.float32),
            pltpu.SemaphoreType.DMA,
            pltpu.SemaphoreType.DMA,
        ],
        compiler_params=pltpu.CompilerParams(use_tc_tiling_on_sc=False),
    )(_msg_kernel_body)


def _norms(deg_blk):
    nrm = lax.rsqrt(jnp.maximum(deg_blk[:, :, 0:1], 1.0))
    return nrm[0], nrm[1]


def _tc1_body(x_ref, deg_ref, w_ref, o_ref):
    ns, _ = _norms(deg_ref[...])
    o_ref[...] = jnp.dot(
        x_ref[...] * ns, w_ref[...], preferred_element_type=jnp.float32
    )


def _tc_mid_body(p_ref, deg_ref, b_ref, w_ref, o_ref):
    ns, nd = _norms(deg_ref[...])
    t = (p_ref[0] + p_ref[1]) * nd + b_ref[...]
    t = jnp.where(t > 0.0, t, jnp.exp(jnp.minimum(t, 0.0)) - 1.0)
    o_ref[...] = jnp.dot(t * ns, w_ref[...], preferred_element_type=jnp.float32)


def _tc_out_body(p_ref, deg_ref, b_ref, o_ref):
    _, nd = _norms(deg_ref[...])
    o_ref[...] = (p_ref[0] + p_ref[1]) * nd + b_ref[...]


_GRID = (N_PAD // RBLK,)
_SPEC_ROWS = pl.BlockSpec((RBLK, D), lambda i: (i, 0))
_SPEC_DEG = pl.BlockSpec((NC, RBLK, 8), lambda i: (0, i, 0))
_SPEC_P = pl.BlockSpec((NC, RBLK, D), lambda i: (0, i, 0))
_SPEC_W = pl.BlockSpec((D, D), lambda i: (0, 0))
_SPEC_B = pl.BlockSpec((1, D), lambda i: (0, 0))
_OUT_ROWS = jax.ShapeDtypeStruct((N_PAD, D), jnp.float32)


def kernel(x, edge_index, W1, b1, W2, b2):
    src = edge_index[0]
    dst = edge_index[1]
    zeros_nd = jnp.zeros((N, D), jnp.float32)
    zeros_deg = jnp.zeros((N_PAD, 8), jnp.float32)
    ones_bd = jnp.ones((BD, 8), jnp.float32)

    deg3 = _make_deg_kernel()(src, dst, ones_bd, zeros_deg)

    h1 = pl.pallas_call(
        _tc1_body,
        grid=_GRID,
        in_specs=[_SPEC_ROWS, _SPEC_DEG, _SPEC_W],
        out_specs=_SPEC_ROWS,
        out_shape=_OUT_ROWS,
    )(x, deg3, W1)

    msg = _make_msg_kernel()
    p1 = msg(h1, src, dst, zeros_nd)

    h2 = pl.pallas_call(
        _tc_mid_body,
        grid=_GRID,
        in_specs=[_SPEC_P, _SPEC_DEG, _SPEC_B, _SPEC_W],
        out_specs=_SPEC_ROWS,
        out_shape=_OUT_ROWS,
    )(p1, deg3, b1.reshape(1, D), W2)

    p2 = msg(h2, src, dst, zeros_nd)

    logits = pl.pallas_call(
        _tc_out_body,
        grid=_GRID,
        in_specs=[_SPEC_P, _SPEC_DEG, _SPEC_B],
        out_specs=_SPEC_ROWS,
        out_shape=jax.ShapeDtypeStruct((N, D), jnp.float32),
    )(p2, deg3, b2.reshape(1, D))

    return logits

# --- scband reference (transcript-rebuilt; emitter-appended) ---
"""Pipeline reference for scband-gnnclassifier-35390530519290 (READ-ONLY COPY).

The authoritative reference and input builder live on the scoring server;
editing this copy changes nothing except your own understanding.
"""

import jax, jax.numpy as jnp
import numpy as np

N = 10000
E = 320000
D_IN = 128
D_HID = 128
D_OUT = 128

def setup_inputs(seed: int = 0):
    key = jax.random.key(seed)
    ks = jax.random.split(key, 4)
    x = jax.random.normal(ks[0], (N, D_IN), dtype=jnp.float32)
    edge_index = jax.random.randint(ks[1], (2, E), 0, N, dtype=jnp.int32)
    W1 = jax.random.normal(ks[2], (D_IN, D_HID), dtype=jnp.float32) * (1.0 / np.sqrt(D_IN))
    b1 = jnp.zeros((D_HID,), dtype=jnp.float32)
    W2 = jax.random.normal(ks[3], (D_HID, D_OUT), dtype=jnp.float32) * (1.0 / np.sqrt(D_HID))
    b2 = jnp.zeros((D_OUT,), dtype=jnp.float32)
    return {"x": x, "edge_index": edge_index, "W1": W1, "b1": b1, "W2": W2, "b2": b2}

def _gcn_layer(h, src, dst, W, b):
    # DGL GraphConv with norm='both': out = D_in^{-1/2} A D_out^{-1/2} h W + b
    ones = jnp.ones((src.shape[0],), jnp.float32)
    deg_out = jax.ops.segment_sum(ones, src, num_segments=N)
    deg_in = jax.ops.segment_sum(ones, dst, num_segments=N)
    norm_src = 1.0 / jnp.sqrt(jnp.maximum(deg_out, 1.0))
    norm_dst = 1.0 / jnp.sqrt(jnp.maximum(deg_in, 1.0))
    h = h * norm_src[:, None]
    h = h @ W
    msgs = jnp.take(h, src, axis=0)
    agg = jax.ops.segment_sum(msgs, dst, num_segments=N)
    return agg * norm_dst[:, None] + b

def reference(x, edge_index, W1, b1, W2, b2):
    src = edge_index[0]
    dst = edge_index[1]
    h = _gcn_layer(x, src, dst, W1, b1)
    h = jax.nn.elu(h)
    logits = _gcn_layer(h, src, dst, W2, b2)
    return logits

if __name__ == "__main__":
    import jax
    _d = setup_inputs()
    print(jax.jit(kernel)(*tuple(_d.values())))

</pallas_src>

<mosaic_0001>
#map = affine_map<(d0, d1) -> (0)>
#map1 = affine_map<(d0, d1) -> (0, 0)>
#map2 = affine_map<(d0, d1) -> (0, 0, 0)>
module attributes {stable_mosaic.version = 14 : i64} {
  func.func @_deg_kernel_body(%arg0: i32, %arg1: i32, %arg2: memref<320000xi32, #tpu.memory_space<hbm>>, %arg3: memref<320000xi32, #tpu.memory_space<hbm>>, %arg4: memref<128x8xf32, #tpu.memory_space<hbm>>, %arg5: memref<10240x8xf32, #tpu.memory_space<hbm>>, %arg6: memref<2x10240x8xf32, #tpu.memory_space<hbm>>, %arg7: memref<20000xi32, #tpu.memory_space<vmem>>, %arg8: memref<128x8xf32, #tpu.memory_space<vmem>>, %arg9: memref<10240x8xf32, #tpu.memory_space<vmem_shared>>, %arg10: memref<!tpu.dma_semaphore, #tpu.memory_space<semaphore_mem>>, %arg11: memref<!tpu.dma_semaphore, #tpu.memory_space<semaphore_mem>>) attributes {dimension_semantics = [#tpu.dimension_semantics<core_parallel>, #tpu.dimension_semantics<subcore_parallel>], iteration_bounds = array<i64: 2, 16>, scalar_prefetch = 0 : i64, scratch_operands = 5 : i64, tpu.core_type = #tpu.core_type<sc_vector_subcore>, window_params = [{transform_indices = #map}, {transform_indices = #map}, {transform_indices = #map1}, {transform_indices = #map1}, {transform_indices = #map2}]} {
    %mul3A = arith.constant 640 : i32
    %mul3A_0 = arith.muli %arg1, %mul3A : i32
    %mul3A_1 = arith.constant 640 : i32
    %mul3A_2 = arith.muli %arg1, %mul3A_1 : i32
    "tpu.region"() ({
      %run_scoped3A = tpu.sem_alloc : memref<!tpu.dma_semaphore, #tpu.memory_space<semaphore_mem>>
      %dma_start3A_54 = arith.constant 0 : i32
      %dma_start3A_55 = tpu.memref_slice %arg9[%mul3A_2, %dma_start3A_54] : memref<10240x8xf32, #tpu.memory_space<vmem_shared>> -> memref<640x8xf32, #tpu.memory_space<vmem_shared>>
      %dma_start3A_56 = arith.constant 0 : i32
      %dma_start3A_57 = tpu.memref_slice %arg5[%mul3A_0, %dma_start3A_56] : memref<10240x8xf32, #tpu.memory_space<hbm>> -> memref<640x8xf32, #tpu.memory_space<hbm>>
      tpu.enqueue_dma source(%dma_start3A_57 : memref<640x8xf32, #tpu.memory_space<hbm>>) target(%dma_start3A_55 : memref<640x8xf32, #tpu.memory_space<vmem_shared>>) target_semaphore(%run_scoped3A : memref<!tpu.dma_semaphore, #tpu.memory_space<semaphore_mem>>)
      %dma_wait3A_58 = arith.constant 0 : i32
      %dma_wait3A_59 = tpu.memref_slice %arg9[%mul3A_2, %dma_wait3A_58] : memref<10240x8xf32, #tpu.memory_space<vmem_shared>> -> memref<640x8xf32, #tpu.memory_space<vmem_shared>>
      %dma_wait3A_60 = arith.constant 0 : i32
      %dma_wait3A_61 = tpu.memref_slice %arg5[%mul3A_0, %dma_wait3A_60] : memref<10240x8xf32, #tpu.memory_space<hbm>> -> memref<640x8xf32, #tpu.memory_space<hbm>>
      tpu.wait_dma2 semaphore(%run_scoped3A : memref<!tpu.dma_semaphore, #tpu.memory_space<semaphore_mem>>) src(%dma_wait3A_61 : memref<640x8xf32, #tpu.memory_space<hbm>>) dst(%dma_wait3A_59 : memref<640x8xf32, #tpu.memory_space<vmem_shared>>)
      tpu.yield
    }) : () -> ()
    "tpu.region"() ({
      %run_scoped3A = tpu.sem_alloc : memref<!tpu.dma_semaphore, #tpu.memory_space<semaphore_mem>>
      tpu.enqueue_dma source(%arg4 : memref<128x8xf32, #tpu.memory_space<hbm>>) target(%arg8 : memref<128x8xf32, #tpu.memory_space<vmem>>) target_semaphore(%run_scoped3A : memref<!tpu.dma_semaphore, #tpu.memory_space<semaphore_mem>>)
      tpu.wait_dma2 semaphore(%run_scoped3A : memref<!tpu.dma_semaphore, #tpu.memory_space<semaphore_mem>>) src(%arg4 : memref<128x8xf32, #tpu.memory_space<hbm>>) dst(%arg8 : memref<128x8xf32, #tpu.memory_space<vmem>>)
      tpu.yield
    }) : () -> ()
    %eq3A = arith.constant 0 : i32
    %eq3A_3 = arith.cmpi eq, %arg0, %eq3A : i32
    %convert_element_type3A = arith.extui %eq3A_3 : i1 to i32
    %cond3A = arith.constant 0 : i32
    %cond3A_4 = arith.cmpi ne, %convert_element_type3A, %cond3A : i32
    scf.if %cond3A_4 {
      %mul3A_54 = arith.constant 20000 : i32
      %mul3A_55 = arith.muli %arg1, %mul3A_54 : i32
      "tpu.region"() ({
        %run_scoped3A = tpu.sem_alloc : memref<!tpu.dma_semaphore, #tpu.memory_space<semaphore_mem>>
        %dma_start3A_56 = tpu.memref_slice %arg2[%mul3A_55] : memref<320000xi32, #tpu.memory_space<hbm>> -> memref<20000xi32, #tpu.memory_space<hbm>>
        %dma_start3A_57 = tpu.memref_slice %arg2[%mul3A_55] : memref<320000xi32, #tpu.memory_space<hbm>> -> memref<20000xi32, #tpu.memory_space<hbm>>
        tpu.enqueue_dma source(%dma_start3A_57 : memref<20000xi32, #tpu.memory_space<hbm>>) target(%arg7 : memref<20000xi32, #tpu.memory_space<vmem>>) target_semaphore(%run_scoped3A : memref<!tpu.dma_semaphore, #tpu.memory_space<semaphore_mem>>)
        %dma_wait3A_58 = tpu.memref_slice %arg2[%mul3A_55] : memref<320000xi32, #tpu.memory_space<hbm>> -> memref<20000xi32, #tpu.memory_space<hbm>>
        %dma_wait3A_59 = tpu.memref_slice %arg2[%mul3A_55] : memref<320000xi32, #tpu.memory_space<hbm>> -> memref<20000xi32, #tpu.memory_space<hbm>>
        tpu.wait_dma2 semaphore(%run_scoped3A : memref<!tpu.dma_semaphore, #tpu.memory_space<semaphore_mem>>) src(%dma_wait3A_59 : memref<20000xi32, #tpu.memory_space<hbm>>) dst(%arg7 : memref<20000xi32, #tpu.memory_space<vmem>>)
        tpu.yield
      }) : () -> ()
    } else {
    }
    %eq3A_5 = arith.constant 1 : i32
    %eq3A_6 = arith.cmpi eq, %arg0, %eq3A_5 : i32
    %convert_element_type3A_7 = arith.extui %eq3A_6 : i1 to i32
    %cond3A_8 = arith.constant 0 : i32
    %cond3A_9 = arith.cmpi ne, %convert_element_type3A_7, %cond3A_8 : i32
    scf.if %cond3A_9 {
      %mul3A_54 = arith.constant 20000 : i32
      %mul3A_55 = arith.muli %arg1, %mul3A_54 : i32
      "tpu.region"() ({
        %run_scoped3A = tpu.sem_alloc : memref<!tpu.dma_semaphore, #tpu.memory_space<semaphore_mem>>
        %dma_start3A_56 = tpu.memref_slice %arg3[%mul3A_55] : memref<320000xi32, #tpu.memory_space<hbm>> -> memref<20000xi32, #tpu.memory_space<hbm>>
        %dma_start3A_57 = tpu.memref_slice %arg3[%mul3A_55] : memref<320000xi32, #tpu.memory_space<hbm>> -> memref<20000xi32, #tpu.memory_space<hbm>>
        tpu.enqueue_dma source(%dma_start3A_57 : memref<20000xi32, #tpu.memory_space<hbm>>) target(%arg7 : memref<20000xi32, #tpu.memory_space<vmem>>) target_semaphore(%run_scoped3A : memref<!tpu.dma_semaphore, #tpu.memory_space<semaphore_mem>>)
        %dma_wait3A_58 = tpu.memref_slice %arg3[%mul3A_55] : memref<320000xi32, #tpu.memory_space<hbm>> -> memref<20000xi32, #tpu.memory_space<hbm>>
        %dma_wait3A_59 = tpu.memref_slice %arg3[%mul3A_55] : memref<320000xi32, #tpu.memory_space<hbm>> -> memref<20000xi32, #tpu.memory_space<hbm>>
        tpu.wait_dma2 semaphore(%run_scoped3A : memref<!tpu.dma_semaphore, #tpu.memory_space<semaphore_mem>>) src(%dma_wait3A_59 : memref<20000xi32, #tpu.memory_space<hbm>>) dst(%arg7 : memref<20000xi32, #tpu.memory_space<vmem>>)
        tpu.yield
      }) : () -> ()
    } else {
    }
    %barrier3A = arith.constant 0 : index
    tpu.barrier barrier_id(%barrier3A)
    %dma_start3A = arith.constant 0 : i32
    %dma_start3A_10 = tpu.memref_slice %arg7[%dma_start3A] : memref<20000xi32, #tpu.memory_space<vmem>> -> memref<128xi32, #tpu.memory_space<vmem>>
    %dma_start3A_11 = arith.constant 0 : i32
    %dma_start3A_12 = arith.constant 0 : i32
    %dma_start3A_13 = tpu.memref_slice %arg9[%dma_start3A_11, %dma_start3A_12] : memref<10240x8xf32, #tpu.memory_space<vmem_shared>> -> memref<10240x8xf32, #tpu.memory_space<vmem_shared>>
    tpu.enqueue_indirect_dma source(%arg8 : memref<128x8xf32, #tpu.memory_space<vmem>>) target(%dma_start3A_13 : memref<10240x8xf32, #tpu.memory_space<vmem_shared>>) offsets(%dma_start3A_10 : memref<128xi32, #tpu.memory_space<vmem>>) semaphore(%arg10 : memref<!tpu.dma_semaphore, #tpu.memory_space<semaphore_mem>>) {add = true}
    %scan3A = arith.constant 0 : i32
    %scan3A_14 = arith.constant 0 : i32
    %scan3A_15 = arith.constant 77 : i32
    %scan3A_16 = arith.addi %scan3A_14, %scan3A_15 : i32
    %scan3A_17 = arith.constant 1 : i32
    scf.for %scan3A_54 = %scan3A_14 to %scan3A_16 step %scan3A_17  : i32 {
      %mul3A_55 = arith.constant 2 : i32
      %mul3A_56 = arith.muli %mul3A_55, %scan3A_54 : i32
      %add3A = arith.constant 1 : i32
      %add3A_57 = arith.addi %mul3A_56, %add3A : i32
      %mul3A_58 = arith.constant 128 : i32
      %mul3A_59 = arith.muli %add3A_57, %mul3A_58 : i32
      %dma_start3A_60 = tpu.memref_slice %arg7[%mul3A_59] : memref<20000xi32, #tpu.memory_space<vmem>> -> memref<128xi32, #tpu.memory_space<vmem>>
      %dma_start3A_61 = arith.constant 0 : i32
      %dma_start3A_62 = arith.constant 0 : i32
      %dma_start3A_63 = tpu.memref_slice %arg9[%dma_start3A_61, %dma_start3A_62] : memref<10240x8xf32, #tpu.memory_space<vmem_shared>> -> memref<10240x8xf32, #tpu.memory_space<vmem_shared>>
      tpu.enqueue_indirect_dma source(%arg8 : memref<128x8xf32, #tpu.memory_space<vmem>>) target(%dma_start3A_63 : memref<10240x8xf32, #tpu.memory_space<vmem_shared>>) offsets(%dma_start3A_60 : memref<128xi32, #tpu.memory_space<vmem>>) semaphore(%arg11 : memref<!tpu.dma_semaphore, #tpu.memory_space<semaphore_mem>>) {add = true}
      %mul3A_64 = arith.constant 128 : i32
      %mul3A_65 = arith.muli %mul3A_56, %mul3A_64 : i32
      %dma_wait3A_66 = tpu.memref_slice %arg7[%mul3A_65] : memref<20000xi32, #tpu.memory_space<vmem>> -> memref<128xi32, #tpu.memory_space<vmem>>
      %dma_wait3A_67 = arith.constant 0 : i32
      %dma_wait3A_68 = arith.constant 0 : i32
      %dma_wait3A_69 = tpu.memref_slice %arg9[%dma_wait3A_67, %dma_wait3A_68] : memref<10240x8xf32, #tpu.memory_space<vmem_shared>> -> memref<10240x8xf32, #tpu.memory_space<vmem_shared>>
      tpu.wait_indirect_dma semaphore(%arg10 : memref<!tpu.dma_semaphore, #tpu.memory_space<semaphore_mem>>) src(%arg8 : memref<128x8xf32, #tpu.memory_space<vmem>>) dst(%dma_wait3A_69 : memref<10240x8xf32, #tpu.memory_space<vmem_shared>>)
      %add3A_70 = arith.constant 2 : i32
      %add3A_71 = arith.addi %mul3A_56, %add3A_70 : i32
      %mul3A_72 = arith.constant 128 : i32
      %mul3A_73 = arith.muli %add3A_71, %mul3A_72 : i32
      %dma_start3A_74 = tpu.memref_slice %arg7[%mul3A_73] : memref<20000xi32, #tpu.memory_space<vmem>> -> memref<128xi32, #tpu.memory_space<vmem>>
      %dma_start3A_75 = arith.constant 0 : i32
      %dma_start3A_76 = arith.constant 0 : i32
      %dma_start3A_77 = tpu.memref_slice %arg9[%dma_start3A_75, %dma_start3A_76] : memref<10240x8xf32, #tpu.memory_space<vmem_shared>> -> memref<10240x8xf32, #tpu.memory_space<vmem_shared>>
      tpu.enqueue_indirect_dma source(%arg8 : memref<128x8xf32, #tpu.memory_space<vmem>>) target(%dma_start3A_77 : memref<10240x8xf32, #tpu.memory_space<vmem_shared>>) offsets(%dma_start3A_74 : memref<128xi32, #tpu.memory_space<vmem>>) semaphore(%arg10 : memref<!tpu.dma_semaphore, #tpu.memory_space<semaphore_mem>>) {add = true}
      %add3A_78 = arith.constant 1 : i32
      %add3A_79 = arith.addi %mul3A_56, %add3A_78 : i32
      %mul3A_80 = arith.constant 128 : i32
      %mul3A_81 = arith.muli %add3A_79, %mul3A_80 : i32
      %dma_wait3A_82 = tpu.memref_slice %arg7[%mul3A_81] : memref<20000xi32, #tpu.memory_space<vmem>> -> memref<128xi32, #tpu.memory_space<vmem>>
      %dma_wait3A_83 = arith.constant 0 : i32
      %dma_wait3A_84 = arith.constant 0 : i32
      %dma_wait3A_85 = tpu.memref_slice %arg9[%dma_wait3A_83, %dma_wait3A_84] : memref<10240x8xf32, #tpu.memory_space<vmem_shared>> -> memref<10240x8xf32, #tpu.memory_space<vmem_shared>>
      tpu.wait_indirect_dma semaphore(%arg11 : memref<!tpu.dma_semaphore, #tpu.memory_space<semaphore_mem>>) src(%arg8 : memref<128x8xf32, #tpu.memory_space<vmem>>) dst(%dma_wait3A_85 : memref<10240x8xf32, #tpu.memory_space<vmem_shared>>)
    }
    %scan3A_18 = arith.constant 77 : i32
    %dma_wait3A = arith.constant 19712 : i32
    %dma_wait3A_19 = tpu.memref_slice %arg7[%dma_wait3A] : memref<20000xi32, #tpu.memory_space<vmem>> -> memref<128xi32, #tpu.memory_space<vmem>>
    %dma_wait3A_20 = arith.constant 0 : i32
    %dma_wait3A_21 = arith.constant 0 : i32
    %dma_wait3A_22 = tpu.memref_slice %arg9[%dma_wait3A_20, %dma_wait3A_21] : memref<10240x8xf32, #tpu.memory_space<vmem_shared>> -> memref<10240x8xf32, #tpu.memory_space<vmem_shared>>
    tpu.wait_indirect_dma semaphore(%arg10 : memref<!tpu.dma_semaphore, #tpu.memory_space<semaphore_mem>>) src(%arg8 : memref<128x8xf32, #tpu.memory_space<vmem>>) dst(%dma_wait3A_22 : memref<10240x8xf32, #tpu.memory_space<vmem_shared>>)
    %dma_start3A_23 = arith.constant 19840 : i32
    %dma_start3A_24 = tpu.memref_slice %arg7[%dma_start3A_23] : memref<20000xi32, #tpu.memory_space<vmem>> -> memref<128xi32, #tpu.memory_space<vmem>>
    %dma_start3A_25 = arith.constant 0 : i32
    %dma_start3A_26 = arith.constant 0 : i32
    %dma_start3A_27 = tpu.memref_slice %arg9[%dma_start3A_25, %dma_start3A_26] : memref<10240x8xf32, #tpu.memory_space<vmem_shared>> -> memref<10240x8xf32, #tpu.memory_space<vmem_shared>>
    tpu.enqueue_indirect_dma source(%arg8 : memref<128x8xf32, #tpu.memory_space<vmem>>) target(%dma_start3A_27 : memref<10240x8xf32, #tpu.memory_space<vmem_shared>>) offsets(%dma_start3A_24 : memref<128xi32, #tpu.memory_space<vmem>>) semaphore(%arg11 : memref<!tpu.dma_semaphore, #tpu.memory_space<semaphore_mem>>) {add = true}
    %dma_start3A_28 = arith.constant 0 : i32
    %dma_start3A_29 = arith.constant 0 : i32
    %dma_start3A_30 = tpu.memref_slice %arg8[%dma_start3A_28, %dma_start3A_29] : memref<128x8xf32, #tpu.memory_space<vmem>> -> memref<32x8xf32, #tpu.memory_space<vmem>>
    %dma_start3A_31 = arith.constant 19968 : i32
    %dma_start3A_32 = tpu.memref_slice %arg7[%dma_start3A_31] : memref<20000xi32, #tpu.memory_space<vmem>> -> memref<32xi32, #tpu.memory_space<vmem>>
    %dma_start3A_33 = arith.constant 0 : i32
    %dma_start3A_34 = arith.constant 0 : i32
    %dma_start3A_35 = tpu.memref_slice %arg9[%dma_start3A_33, %dma_start3A_34] : memref<10240x8xf32, #tpu.memory_space<vmem_shared>> -> memref<10240x8xf32, #tpu.memory_space<vmem_shared>>
    tpu.enqueue_indirect_dma source(%dma_start3A_30 : memref<32x8xf32, #tpu.memory_space<vmem>>) target(%dma_start3A_35 : memref<10240x8xf32, #tpu.memory_space<vmem_shared>>) offsets(%dma_start3A_32 : memref<32xi32, #tpu.memory_space<vmem>>) semaphore(%arg10 : memref<!tpu.dma_semaphore, #tpu.memory_space<semaphore_mem>>) {add = true}
    %dma_wait3A_36 = arith.constant 19840 : i32
    %dma_wait3A_37 = tpu.memref_slice %arg7[%dma_wait3A_36] : memref<20000xi32, #tpu.memory_space<vmem>> -> memref<128xi32, #tpu.memory_space<vmem>>
    %dma_wait3A_38 = arith.constant 0 : i32
    %dma_wait3A_39 = arith.constant 0 : i32
    %dma_wait3A_40 = tpu.memref_slice %arg9[%dma_wait3A_38, %dma_wait3A_39] : memref<10240x8xf32, #tpu.memory_space<vmem_shared>> -> memref<10240x8xf32, #tpu.memory_space<vmem_shared>>
    tpu.wait_indirect_dma semaphore(%arg11 : memref<!tpu.dma_semaphore, #tpu.memory_space<semaphore_mem>>) src(%arg8 : memref<128x8xf32, #tpu.memory_space<vmem>>) dst(%dma_wait3A_40 : memref<10240x8xf32, #tpu.memory_space<vmem_shared>>)
    %dma_wait3A_41 = arith.constant 0 : i32
    %dma_wait3A_42 = arith.constant 0 : i32
    %dma_wait3A_43 = tpu.memref_slice %arg8[%dma_wait3A_41, %dma_wait3A_42] : memref<128x8xf32, #tpu.memory_space<vmem>> -> memref<32x8xf32, #tpu.memory_space<vmem>>
    %dma_wait3A_44 = arith.constant 19968 : i32
    %dma_wait3A_45 = tpu.memref_slice %arg7[%dma_wait3A_44] : memref<20000xi32, #tpu.memory_space<vmem>> -> memref<32xi32, #tpu.memory_space<vmem>>
    %dma_wait3A_46 = arith.constant 0 : i32
    %dma_wait3A_47 = arith.constant 0 : i32
    %dma_wait3A_48 = tpu.memref_slice %arg9[%dma_wait3A_46, %dma_wait3A_47] : memref<10240x8xf32, #tpu.memory_space<vmem_shared>> -> memref<10240x8xf32, #tpu.memory_space<vmem_shared>>
    tpu.wait_indirect_dma semaphore(%arg10 : memref<!tpu.dma_semaphore, #tpu.memory_space<semaphore_mem>>) src(%dma_wait3A_43 : memref<32x8xf32, #tpu.memory_space<vmem>>) dst(%dma_wait3A_48 : memref<10240x8xf32, #tpu.memory_space<vmem_shared>>)
    %barrier3A_49 = arith.constant 0 : index
    tpu.barrier barrier_id(%barrier3A_49)
    %mul3A_50 = arith.constant 640 : i32
    %mul3A_51 = arith.muli %arg1, %mul3A_50 : i32
    %mul3A_52 = arith.constant 640 : i32
    %mul3A_53 = arith.muli %arg1, %mul3A_52 : i32
    "tpu.region"() ({
      %run_scoped3A = tpu.sem_alloc : memref<!tpu.dma_semaphore, #tpu.memory_space<semaphore_mem>>
      %dma_start3A_54 = arith.constant 0 : i32
      %dma_start3A_55 = tpu.memref_slice %arg6[%arg0, %mul3A_53, %dma_start3A_54] : memref<2x10240x8xf32, #tpu.memory_space<hbm>> -> memref<1x640x8xf32, #tpu.memory_space<hbm>>
      %dma_start3A_56 = tpu.memref_squeeze %dma_start3A_55 : memref<1x640x8xf32, #tpu.memory_space<hbm>> -> memref<640x8xf32, #tpu.memory_space<hbm>>
      %dma_start3A_57 = arith.constant 0 : i32
      %dma_start3A_58 = tpu.memref_slice %arg9[%mul3A_51, %dma_start3A_57] : memref<10240x8xf32, #tpu.memory_space<vmem_shared>> -> memref<640x8xf32, #tpu.memory_space<vmem_shared>>
      tpu.enqueue_dma source(%dma_start3A_58 : memref<640x8xf32, #tpu.memory_space<vmem_shared>>) target(%dma_start3A_56 : memref<640x8xf32, #tpu.memory_space<hbm>>) target_semaphore(%run_scoped3A : memref<!tpu.dma_semaphore, #tpu.memory_space<semaphore_mem>>)
      %dma_wait3A_59 = arith.constant 0 : i32
      %dma_wait3A_60 = tpu.memref_slice %arg6[%arg0, %mul3A_53, %dma_wait3A_59] : memref<2x10240x8xf32, #tpu.memory_space<hbm>> -> memref<1x640x8xf32, #tpu.memory_space<hbm>>
      %dma_wait3A_61 = tpu.memref_squeeze %dma_wait3A_60 : memref<1x640x8xf32, #tpu.memory_space<hbm>> -> memref<640x8xf32, #tpu.memory_space<hbm>>
      %dma_wait3A_62 = arith.constant 0 : i32
      %dma_wait3A_63 = tpu.memref_slice %arg9[%mul3A_51, %dma_wait3A_62] : memref<10240x8xf32, #tpu.memory_space<vmem_shared>> -> memref<640x8xf32, #tpu.memory_space<vmem_shared>>
      tpu.wait_dma2 semaphore(%run_scoped3A : memref<!tpu.dma_semaphore, #tpu.memory_space<semaphore_mem>>) src(%dma_wait3A_63 : memref<640x8xf32, #tpu.memory_space<vmem_shared>>) dst(%dma_wait3A_61 : memref<640x8xf32, #tpu.memory_space<hbm>>)
      tpu.yield
    }) : () -> ()
    return
  }
}

#map = affine_map<(d0, d1) -> (0, 0)>
#map1 = affine_map<(d0, d1) -> (0)>
#map2 = affine_map<(d0, d1) -> (0, 0, 0)>
module attributes {stable_mosaic.version = 14 : i64} {
  func.func @_msg_kernel_body(%arg0: i32, %arg1: i32, %arg2: memref<10240x128xf32, #tpu.memory_space<hbm>>, %arg3: memref<320000xi32, #tpu.memory_space<hbm>>, %arg4: memref<320000xi32, #tpu.memory_space<hbm>>, %arg5: memref<10000x128xf32, #tpu.memory_space<hbm>>, %arg6: memref<2x10000x128xf32, #tpu.memory_space<hbm>>, %arg7: memref<10000xi32, #tpu.memory_space<vmem>>, %arg8: memref<10000xi32, #tpu.memory_space<vmem>>, %arg9: memref<112x128xf32, #tpu.memory_space<vmem>>, %arg10: memref<112x128xf32, #tpu.memory_space<vmem>>, %arg11: memref<10000x128xf32, #tpu.memory_space<vmem_shared>>, %arg12: memref<!tpu.dma_semaphore, #tpu.memory_space<semaphore_mem>>, %arg13: memref<!tpu.dma_semaphore, #tpu.memory_space<semaphore_mem>>) attributes {dimension_semantics = [#tpu.dimension_semantics<core_parallel>, #tpu.dimension_semantics<subcore_parallel>], iteration_bounds = array<i64: 2, 16>, scalar_prefetch = 0 : i64, scratch_operands = 7 : i64, tpu.core_type = #tpu.core_type<sc_vector_subcore>, window_params = [{transform_indices = #map}, {transform_indices = #map1}, {transform_indices = #map1}, {transform_indices = #map}, {transform_indices = #map2}]} {
    %mul3A = arith.constant 2 : i32
    %mul3A_0 = arith.muli %arg1, %mul3A : i32
    %add3A = arith.addi %mul3A_0, %arg0 : i32
    %mul3A_1 = arith.constant 10000 : i32
    %mul3A_2 = arith.muli %add3A, %mul3A_1 : i32
    "tpu.region"() ({
      %run_scoped3A = tpu.sem_alloc : memref<!tpu.dma_semaphore, #tpu.memory_space<semaphore_mem>>
      %dma_start3A_43 = tpu.memref_slice %arg3[%mul3A_2] : memref<320000xi32, #tpu.memory_space<hbm>> -> memref<10000xi32, #tpu.memory_space<hbm>>
      %dma_start3A_44 = tpu.memref_slice %arg3[%mul3A_2] : memref<320000xi32, #tpu.memory_space<hbm>> -> memref<10000xi32, #tpu.memory_space<hbm>>
      tpu.enqueue_dma source(%dma_start3A_44 : memref<10000xi32, #tpu.memory_space<hbm>>) target(%arg7 : memref<10000xi32, #tpu.memory_space<vmem>>) target_semaphore(%run_scoped3A : memref<!tpu.dma_semaphore, #tpu.memory_space<semaphore_mem>>)
      %dma_wait3A_45 = tpu.memref_slice %arg3[%mul3A_2] : memref<320000xi32, #tpu.memory_space<hbm>> -> memref<10000xi32, #tpu.memory_space<hbm>>
      %dma_wait3A_46 = tpu.memref_slice %arg3[%mul3A_2] : memref<320000xi32, #tpu.memory_space<hbm>> -> memref<10000xi32, #tpu.memory_space<hbm>>
      tpu.wait_dma2 semaphore(%run_scoped3A : memref<!tpu.dma_semaphore, #tpu.memory_space<semaphore_mem>>) src(%dma_wait3A_46 : memref<10000xi32, #tpu.memory_space<hbm>>) dst(%arg7 : memref<10000xi32, #tpu.memory_space<vmem>>)
      tpu.yield
    }) : () -> ()
    %mul3A_3 = arith.constant 10000 : i32
    %mul3A_4 = arith.muli %add3A, %mul3A_3 : i32
    "tpu.region"() ({
      %run_scoped3A = tpu.sem_alloc : memref<!tpu.dma_semaphore, #tpu.memory_space<semaphore_mem>>
      %dma_start3A_43 = tpu.memref_slice %arg4[%mul3A_4] : memref<320000xi32, #tpu.memory_space<hbm>> -> memref<10000xi32, #tpu.memory_space<hbm>>
      %dma_start3A_44 = tpu.memref_slice %arg4[%mul3A_4] : memref<320000xi32, #tpu.memory_space<hbm>> -> memref<10000xi32, #tpu.memory_space<hbm>>
      tpu.enqueue_dma source(%dma_start3A_44 : memref<10000xi32, #tpu.memory_space<hbm>>) target(%arg8 : memref<10000xi32, #tpu.memory_space<vmem>>) target_semaphore(%run_scoped3A : memref<!tpu.dma_semaphore, #tpu.memory_space<semaphore_mem>>)
      %dma_wait3A_45 = tpu.memref_slice %arg4[%mul3A_4] : memref<320000xi32, #tpu.memory_space<hbm>> -> memref<10000xi32, #tpu.memory_space<hbm>>
      %dma_wait3A_46 = tpu.memref_slice %arg4[%mul3A_4] : memref<320000xi32, #tpu.memory_space<hbm>> -> memref<10000xi32, #tpu.memory_space<hbm>>
      tpu.wait_dma2 semaphore(%run_scoped3A : memref<!tpu.dma_semaphore, #tpu.memory_space<semaphore_mem>>) src(%dma_wait3A_46 : memref<10000xi32, #tpu.memory_space<hbm>>) dst(%arg8 : memref<10000xi32, #tpu.memory_space<vmem>>)
      tpu.yield
    }) : () -> ()
    %mul3A_5 = arith.constant 625 : i32
    %mul3A_6 = arith.muli %arg1, %mul3A_5 : i32
    %mul3A_7 = arith.constant 625 : i32
    %mul3A_8 = arith.muli %arg1, %mul3A_7 : i32
    "tpu.region"() ({
      %run_scoped3A = tpu.sem_alloc : memref<!tpu.dma_semaphore, #tpu.memory_space<semaphore_mem>>
      %dma_start3A_43 = arith.constant 0 : i32
      %dma_start3A_44 = tpu.memref_slice %arg11[%mul3A_8, %dma_start3A_43] : memref<10000x128xf32, #tpu.memory_space<vmem_shared>> -> memref<625x128xf32, #tpu.memory_space<vmem_shared>>
      %dma_start3A_45 = arith.constant 0 : i32
      %dma_start3A_46 = tpu.memref_slice %arg5[%mul3A_6, %dma_start3A_45] : memref<10000x128xf32, #tpu.memory_space<hbm>> -> memref<625x128xf32, #tpu.memory_space<hbm>>
      tpu.enqueue_dma source(%dma_start3A_46 : memref<625x128xf32, #tpu.memory_space<hbm>>) target(%dma_start3A_44 : memref<625x128xf32, #tpu.memory_space<vmem_shared>>) target_semaphore(%run_scoped3A : memref<!tpu.dma_semaphore, #tpu.memory_space<semaphore_mem>>)
      %dma_wait3A_47 = arith.constant 0 : i32
      %dma_wait3A_48 = tpu.memref_slice %arg11[%mul3A_8, %dma_wait3A_47] : memref<10000x128xf32, #tpu.memory_space<vmem_shared>> -> memref<625x128xf32, #tpu.memory_space<vmem_shared>>
      %dma_wait3A_49 = arith.constant 0 : i32
      %dma_wait3A_50 = tpu.memref_slice %arg5[%mul3A_6, %dma_wait3A_49] : memref<10000x128xf32, #tpu.memory_space<hbm>> -> memref<625x128xf32, #tpu.memory_space<hbm>>
      tpu.wait_dma2 semaphore(%run_scoped3A : memref<!tpu.dma_semaphore, #tpu.memory_space<semaphore_mem>>) src(%dma_wait3A_50 : memref<625x128xf32, #tpu.memory_space<hbm>>) dst(%dma_wait3A_48 : memref<625x128xf32, #tpu.memory_space<vmem_shared>>)
      tpu.yield
    }) : () -> ()
    %barrier3A = arith.constant 0 : index
    tpu.barrier barrier_id(%barrier3A)
    %dma_start3A = arith.constant 0 : i32
    %dma_start3A_9 = tpu.memref_slice %arg7[%dma_start3A] : memref<10000xi32, #tpu.memory_space<vmem>> -> memref<112xi32, #tpu.memory_space<vmem>>
    %dma_start3A_10 = arith.constant 0 : i32
    %dma_start3A_11 = arith.constant 0 : i32
    %dma_start3A_12 = tpu.memref_slice %arg2[%dma_start3A_10, %dma_start3A_11] : memref<10240x128xf32, #tpu.memory_space<hbm>> -> memref<10240x128xf32, #tpu.memory_space<hbm>>
    tpu.enqueue_indirect_dma source(%dma_start3A_12 : memref<10240x128xf32, #tpu.memory_space<hbm>>) target(%arg9 : memref<112x128xf32, #tpu.memory_space<vmem>>) offsets(%dma_start3A_9 : memref<112xi32, #tpu.memory_space<vmem>>) semaphore(%arg12 : memref<!tpu.dma_semaphore, #tpu.memory_space<semaphore_mem>>)
    %scan3A = arith.constant 0 : i32
    %scan3A_13 = arith.constant 0 : i32
    %scan3A_14 = arith.constant 44 : i32
    %scan3A_15 = arith.addi %scan3A_13, %scan3A_14 : i32
    %scan3A_16 = arith.constant 1 : i32
    scf.for %scan3A_43 = %scan3A_13 to %scan3A_15 step %scan3A_16  : i32 {
      %mul3A_44 = arith.constant 2 : i32
      %mul3A_45 = arith.muli %mul3A_44, %scan3A_43 : i32
      %add3A_46 = arith.constant 1 : i32
      %add3A_47 = arith.addi %mul3A_45, %add3A_46 : i32
      %mul3A_48 = arith.constant 112 : i32
      %mul3A_49 = arith.muli %add3A_47, %mul3A_48 : i32
      %dma_start3A_50 = tpu.memref_slice %arg7[%mul3A_49] : memref<10000xi32, #tpu.memory_space<vmem>> -> memref<112xi32, #tpu.memory_space<vmem>>
      %dma_start3A_51 = arith.constant 0 : i32
      %dma_start3A_52 = arith.constant 0 : i32
      %dma_start3A_53 = tpu.memref_slice %arg2[%dma_start3A_51, %dma_start3A_52] : memref<10240x128xf32, #tpu.memory_space<hbm>> -> memref<10240x128xf32, #tpu.memory_space<hbm>>
      tpu.enqueue_indirect_dma source(%dma_start3A_53 : memref<10240x128xf32, #tpu.memory_space<hbm>>) target(%arg10 : memref<112x128xf32, #tpu.memory_space<vmem>>) offsets(%dma_start3A_50 : memref<112xi32, #tpu.memory_space<vmem>>) semaphore(%arg13 : memref<!tpu.dma_semaphore, #tpu.memory_space<semaphore_mem>>)
      %mul3A_54 = arith.constant 112 : i32
      %mul3A_55 = arith.muli %mul3A_45, %mul3A_54 : i32
      %dma_wait3A_56 = tpu.memref_slice %arg7[%mul3A_55] : memref<10000xi32, #tpu.memory_space<vmem>> -> memref<112xi32, #tpu.memory_space<vmem>>
      %dma_wait3A_57 = arith.constant 0 : i32
      %dma_wait3A_58 = arith.constant 0 : i32
      %dma_wait3A_59 = tpu.memref_slice %arg2[%dma_wait3A_57, %dma_wait3A_58] : memref<10240x128xf32, #tpu.memory_space<hbm>> -> memref<10240x128xf32, #tpu.memory_space<hbm>>
      tpu.wait_indirect_dma semaphore(%arg12 : memref<!tpu.dma_semaphore, #tpu.memory_space<semaphore_mem>>) src(%dma_wait3A_59 : memref<10240x128xf32, #tpu.memory_space<hbm>>) dst(%arg9 : memref<112x128xf32, #tpu.memory_space<vmem>>)
      %mul3A_60 = arith.constant 112 : i32
      %mul3A_61 = arith.muli %mul3A_45, %mul3A_60 : i32
      "tpu.region"() ({
        %run_scoped3A = tpu.sem_alloc : memref<!tpu.dma_semaphore, #tpu.memory_space<semaphore_mem>>
        %dma_start3A_82 = tpu.memref_slice %arg8[%mul3A_61] : memref<10000xi32, #tpu.memory_space<vmem>> -> memref<112xi32, #tpu.memory_space<vmem>>
        %dma_start3A_83 = arith.constant 0 : i32
        %dma_start3A_84 = arith.constant 0 : i32
        %dma_start3A_85 = tpu.memref_slice %arg11[%dma_start3A_83, %dma_start3A_84] : memref<10000x128xf32, #tpu.memory_space<vmem_shared>> -> memref<10000x128xf32, #tpu.memory_space<vmem_shared>>
        tpu.enqueue_indirect_dma source(%arg9 : memref<112x128xf32, #tpu.memory_space<vmem>>) target(%dma_start3A_85 : memref<10000x128xf32, #tpu.memory_space<vmem_shared>>) offsets(%dma_start3A_82 : memref<112xi32, #tpu.memory_space<vmem>>) semaphore(%run_scoped3A : memref<!tpu.dma_semaphore, #tpu.memory_space<semaphore_mem>>) {add = true}
        %dma_wait3A_86 = tpu.memref_slice %arg8[%mul3A_61] : memref<10000xi32, #tpu.memory_space<vmem>> -> memref<112xi32, #tpu.memory_space<vmem>>
        %dma_wait3A_87 = arith.constant 0 : i32
        %dma_wait3A_88 = arith.constant 0 : i32
        %dma_wait3A_89 = tpu.memref_slice %arg11[%dma_wait3A_87, %dma_wait3A_88] : memref<10000x128xf32, #tpu.memory_space<vmem_shared>> -> memref<10000x128xf32, #tpu.memory_space<vmem_shared>>
        tpu.wait_indirect_dma semaphore(%run_scoped3A : memref<!tpu.dma_semaphore, #tpu.memory_space<semaphore_mem>>) src(%arg9 : memref<112x128xf32, #tpu.memory_space<vmem>>) dst(%dma_wait3A_89 : memref<10000x128xf32, #tpu.memory_space<vmem_shared>>)
        tpu.yield
      }) : () -> ()
      %add3A_62 = arith.constant 2 : i32
      %add3A_63 = arith.addi %mul3A_45, %add3A_62 : i32
      %mul3A_64 = arith.constant 112 : i32
      %mul3A_65 = arith.muli %add3A_63, %mul3A_64 : i32
      %dma_start3A_66 = tpu.memref_slice %arg7[%mul3A_65] : memref<10000xi32, #tpu.memory_space<vmem>> -> memref<112xi32, #tpu.memory_space<vmem>>
      %dma_start3A_67 = arith.constant 0 : i32
      %dma_start3A_68 = arith.constant 0 : i32
      %dma_start3A_69 = tpu.memref_slice %arg2[%dma_start3A_67, %dma_start3A_68] : memref<10240x128xf32, #tpu.memory_space<hbm>> -> memref<10240x128xf32, #tpu.memory_space<hbm>>
      tpu.enqueue_indirect_dma source(%dma_start3A_69 : memref<10240x128xf32, #tpu.memory_space<hbm>>) target(%arg9 : memref<112x128xf32, #tpu.memory_space<vmem>>) offsets(%dma_start3A_66 : memref<112xi32, #tpu.memory_space<vmem>>) semaphore(%arg12 : memref<!tpu.dma_semaphore, #tpu.memory_space<semaphore_mem>>)
      %add3A_70 = arith.constant 1 : i32
      %add3A_71 = arith.addi %mul3A_45, %add3A_70 : i32
      %mul3A_72 = arith.constant 112 : i32
      %mul3A_73 = arith.muli %add3A_71, %mul3A_72 : i32
      %dma_wait3A_74 = tpu.memref_slice %arg7[%mul3A_73] : memref<10000xi32, #tpu.memory_space<vmem>> -> memref<112xi32, #tpu.memory_space<vmem>>
      %dma_wait3A_75 = arith.constant 0 : i32
      %dma_wait3A_76 = arith.constant 0 : i32
      %dma_wait3A_77 = tpu.memref_slice %arg2[%dma_wait3A_75, %dma_wait3A_76] : memref<10240x128xf32, #tpu.memory_space<hbm>> -> memref<10240x128xf32, #tpu.memory_space<hbm>>
      tpu.wait_indirect_dma semaphore(%arg13 : memref<!tpu.dma_semaphore, #tpu.memory_space<semaphore_mem>>) src(%dma_wait3A_77 : memref<10240x128xf32, #tpu.memory_space<hbm>>) dst(%arg10 : memref<112x128xf32, #tpu.memory_space<vmem>>)
      %add3A_78 = arith.constant 1 : i32
      %add3A_79 = arith.addi %mul3A_45, %add3A_78 : i32
      %mul3A_80 = arith.constant 112 : i32
      %mul3A_81 = arith.muli %add3A_79, %mul3A_80 : i32
      "tpu.region"() ({
        %run_scoped3A = tpu.sem_alloc : memref<!tpu.dma_semaphore, #tpu.memory_space<semaphore_mem>>
        %dma_start3A_82 = tpu.memref_slice %arg8[%mul3A_81] : memref<10000xi32, #tpu.memory_space<vmem>> -> memref<112xi32, #tpu.memory_space<vmem>>
        %dma_start3A_83 = arith.constant 0 : i32
        %dma_start3A_84 = arith.constant 0 : i32
        %dma_start3A_85 = tpu.memref_slice %arg11[%dma_start3A_83, %dma_start3A_84] : memref<10000x128xf32, #tpu.memory_space<vmem_shared>> -> memref<10000x128xf32, #tpu.memory_space<vmem_shared>>
        tpu.enqueue_indirect_dma source(%arg10 : memref<112x128xf32, #tpu.memory_space<vmem>>) target(%dma_start3A_85 : memref<10000x128xf32, #tpu.memory_space<vmem_shared>>) offsets(%dma_start3A_82 : memref<112xi32, #tpu.memory_space<vmem>>) semaphore(%run_scoped3A : memref<!tpu.dma_semaphore, #tpu.memory_space<semaphore_mem>>) {add = true}
        %dma_wait3A_86 = tpu.memref_slice %arg8[%mul3A_81] : memref<10000xi32, #tpu.memory_space<vmem>> -> memref<112xi32, #tpu.memory_space<vmem>>
        %dma_wait3A_87 = arith.constant 0 : i32
        %dma_wait3A_88 = arith.constant 0 : i32
        %dma_wait3A_89 = tpu.memref_slice %arg11[%dma_wait3A_87, %dma_wait3A_88] : memref<10000x128xf32, #tpu.memory_space<vmem_shared>> -> memref<10000x128xf32, #tpu.memory_space<vmem_shared>>
        tpu.wait_indirect_dma semaphore(%run_scoped3A : memref<!tpu.dma_semaphore, #tpu.memory_space<semaphore_mem>>) src(%arg10 : memref<112x128xf32, #tpu.memory_space<vmem>>) dst(%dma_wait3A_89 : memref<10000x128xf32, #tpu.memory_space<vmem_shared>>)
        tpu.yield
      }) : () -> ()
    }
    %scan3A_17 = arith.constant 44 : i32
    %dma_start3A_18 = arith.constant 0 : i32
    %dma_start3A_19 = arith.constant 0 : i32
    %dma_start3A_20 = tpu.memref_slice %arg10[%dma_start3A_18, %dma_start3A_19] : memref<112x128xf32, #tpu.memory_space<vmem>> -> memref<32x128xf32, #tpu.memory_space<vmem>>
    %dma_start3A_21 = arith.constant 9968 : i32
    %dma_start3A_22 = tpu.memref_slice %arg7[%dma_start3A_21] : memref<10000xi32, #tpu.memory_space<vmem>> -> memref<32xi32, #tpu.memory_space<vmem>>
    %dma_start3A_23 = arith.constant 0 : i32
    %dma_start3A_24 = arith.constant 0 : i32
    %dma_start3A_25 = tpu.memref_slice %arg2[%dma_start3A_23, %dma_start3A_24] : memref<10240x128xf32, #tpu.memory_space<hbm>> -> memref<10240x128xf32, #tpu.memory_space<hbm>>
    tpu.enqueue_indirect_dma source(%dma_start3A_25 : memref<10240x128xf32, #tpu.memory_space<hbm>>) target(%dma_start3A_20 : memref<32x128xf32, #tpu.memory_space<vmem>>) offsets(%dma_start3A_22 : memref<32xi32, #tpu.memory_space<vmem>>) semaphore(%arg13 : memref<!tpu.dma_semaphore, #tpu.memory_space<semaphore_mem>>)
    %dma_wait3A = arith.constant 9856 : i32
    %dma_wait3A_26 = tpu.memref_slice %arg7[%dma_wait3A] : memref<10000xi32, #tpu.memory_space<vmem>> -> memref<112xi32, #tpu.memory_space<vmem>>
    %dma_wait3A_27 = arith.constant 0 : i32
    %dma_wait3A_28 = arith.constant 0 : i32
    %dma_wait3A_29 = tpu.memref_slice %arg2[%dma_wait3A_27, %dma_wait3A_28] : memref<10240x128xf32, #tpu.memory_space<hbm>> -> memref<10240x128xf32, #tpu.memory_space<hbm>>
    tpu.wait_indirect_dma semaphore(%arg12 : memref<!tpu.dma_semaphore, #tpu.memory_space<semaphore_mem>>) src(%dma_wait3A_29 : memref<10240x128xf32, #tpu.memory_space<hbm>>) dst(%arg9 : memref<112x128xf32, #tpu.memory_space<vmem>>)
    "tpu.region"() ({
      %run_scoped3A = tpu.sem_alloc : memref<!tpu.dma_semaphore, #tpu.memory_space<semaphore_mem>>
      %dma_start3A_43 = arith.constant 9856 : i32
      %dma_start3A_44 = tpu.memref_slice %arg8[%dma_start3A_43] : memref<10000xi32, #tpu.memory_space<vmem>> -> memref<112xi32, #tpu.memory_space<vmem>>
      %dma_start3A_45 = arith.constant 0 : i32
      %dma_start3A_46 = arith.constant 0 : i32
      %dma_start3A_47 = tpu.memref_slice %arg11[%dma_start3A_45, %dma_start3A_46] : memref<10000x128xf32, #tpu.memory_space<vmem_shared>> -> memref<10000x128xf32, #tpu.memory_space<vmem_shared>>
      tpu.enqueue_indirect_dma source(%arg9 : memref<112x128xf32, #tpu.memory_space<vmem>>) target(%dma_start3A_47 : memref<10000x128xf32, #tpu.memory_space<vmem_shared>>) offsets(%dma_start3A_44 : memref<112xi32, #tpu.memory_space<vmem>>) semaphore(%run_scoped3A : memref<!tpu.dma_semaphore, #tpu.memory_space<semaphore_mem>>) {add = true}
      %dma_wait3A_48 = arith.constant 9856 : i32
      %dma_wait3A_49 = tpu.memref_slice %arg8[%dma_wait3A_48] : memref<10000xi32, #tpu.memory_space<vmem>> -> memref<112xi32, #tpu.memory_space<vmem>>
      %dma_wait3A_50 = arith.constant 0 : i32
      %dma_wait3A_51 = arith.constant 0 : i32
      %dma_wait3A_52 = tpu.memref_slice %arg11[%dma_wait3A_50, %dma_wait3A_51] : memref<10000x128xf32, #tpu.memory_space<vmem_shared>> -> memref<10000x128xf32, #tpu.memory_space<vmem_shared>>
      tpu.wait_indirect_dma semaphore(%run_scoped3A : memref<!tpu.dma_semaphore, #tpu.memory_space<semaphore_mem>>) src(%arg9 : memref<112x128xf32, #tpu.memory_space<vmem>>) dst(%dma_wait3A_52 : memref<10000x128xf32, #tpu.memory_space<vmem_shared>>)
      tpu.yield
    }) : () -> ()
    %dma_wait3A_30 = arith.constant 0 : i32
    %dma_wait3A_31 = arith.constant 0 : i32
    %dma_wait3A_32 = tpu.memref_slice %arg10[%dma_wait3A_30, %dma_wait3A_31] : memref<112x128xf32, #tpu.memory_space<vmem>> -> memref<32x128xf32, #tpu.memory_space<vmem>>
    %dma_wait3A_33 = arith.constant 9968 : i32
    %dma_wait3A_34 = tpu.memref_slice %arg7[%dma_wait3A_33] : memref<10000xi32, #tpu.memory_space<vmem>> -> memref<32xi32, #tpu.memory_space<vmem>>
    %dma_wait3A_35 = arith.constant 0 : i32
    %dma_wait3A_36 = arith.constant 0 : i32
    %dma_wait3A_37 = tpu.memref_slice %arg2[%dma_wait3A_35, %dma_wait3A_36] : memref<10240x128xf32, #tpu.memory_space<hbm>> -> memref<10240x128xf32, #tpu.memory_space<hbm>>
    tpu.wait_indirect_dma semaphore(%arg13 : memref<!tpu.dma_semaphore, #tpu.memory_space<semaphore_mem>>) src(%dma_wait3A_37 : memref<10240x128xf32, #tpu.memory_space<hbm>>) dst(%dma_wait3A_32 : memref<32x128xf32, #tpu.memory_space<vmem>>)
    "tpu.region"() ({
      %run_scoped3A = tpu.sem_alloc : memref<!tpu.dma_semaphore, #tpu.memory_space<semaphore_mem>>
      %dma_start3A_43 = arith.constant 0 : i32
      %dma_start3A_44 = arith.constant 0 : i32
      %dma_start3A_45 = tpu.memref_slice %arg10[%dma_start3A_43, %dma_start3A_44] : memref<112x128xf32, #tpu.memory_space<vmem>> -> memref<32x128xf32, #tpu.memory_space<vmem>>
      %dma_start3A_46 = arith.constant 9968 : i32
      %dma_start3A_47 = tpu.memref_slice %arg8[%dma_start3A_46] : memref<10000xi32, #tpu.memory_space<vmem>> -> memref<32xi32, #tpu.memory_space<vmem>>
      %dma_start3A_48 = arith.constant 0 : i32
      %dma_start3A_49 = arith.constant 0 : i32
      %dma_start3A_50 = tpu.memref_slice %arg11[%dma_start3A_48, %dma_start3A_49] : memref<10000x128xf32, #tpu.memory_space<vmem_shared>> -> memref<10000x128xf32, #tpu.memory_space<vmem_shared>>
      tpu.enqueue_indirect_dma source(%dma_start3A_45 : memref<32x128xf32, #tpu.memory_space<vmem>>) target(%dma_start3A_50 : memref<10000x128xf32, #tpu.memory_space<vmem_shared>>) offsets(%dma_start3A_47 : memref<32xi32, #tpu.memory_space<vmem>>) semaphore(%run_scoped3A : memref<!tpu.dma_semaphore, #tpu.memory_space<semaphore_mem>>) {add = true}
      %dma_wait3A_51 = arith.constant 0 : i32
      %dma_wait3A_52 = arith.constant 0 : i32
      %dma_wait3A_53 = tpu.memref_slice %arg10[%dma_wait3A_51, %dma_wait3A_52] : memref<112x128xf32, #tpu.memory_space<vmem>> -> memref<32x128xf32, #tpu.memory_space<vmem>>
      %dma_wait3A_54 = arith.constant 9968 : i32
      %dma_wait3A_55 = tpu.memref_slice %arg8[%dma_wait3A_54] : memref<10000xi32, #tpu.memory_space<vmem>> -> memref<32xi32, #tpu.memory_space<vmem>>
      %dma_wait3A_56 = arith.constant 0 : i32
      %dma_wait3A_57 = arith.constant 0 : i32
      %dma_wait3A_58 = tpu.memref_slice %arg11[%dma_wait3A_56, %dma_wait3A_57] : memref<10000x128xf32, #tpu.memory_space<vmem_shared>> -> memref<10000x128xf32, #tpu.memory_space<vmem_shared>>
      tpu.wait_indirect_dma semaphore(%run_scoped3A : memref<!tpu.dma_semaphore, #tpu.memory_space<semaphore_mem>>) src(%dma_wait3A_53 : memref<32x128xf32, #tpu.memory_space<vmem>>) dst(%dma_wait3A_58 : memref<10000x128xf32, #tpu.memory_space<vmem_shared>>)
      tpu.yield
    }) : () -> ()
    %barrier3A_38 = arith.constant 0 : index
    tpu.barrier barrier_id(%barrier3A_38)
    %mul3A_39 = arith.constant 625 : i32
    %mul3A_40 = arith.muli %arg1, %mul3A_39 : i32
    %mul3A_41 = arith.constant 625 : i32
    %mul3A_42 = arith.muli %arg1, %mul3A_41 : i32
    "tpu.region"() ({
      %run_scoped3A = tpu.sem_alloc : memref<!tpu.dma_semaphore, #tpu.memory_space<semaphore_mem>>
      %dma_start3A_43 = arith.constant 0 : i32
      %dma_start3A_44 = tpu.memref_slice %arg6[%arg0, %mul3A_42, %dma_start3A_43] : memref<2x10000x128xf32, #tpu.memory_space<hbm>> -> memref<1x625x128xf32, #tpu.memory_space<hbm>>
      %dma_start3A_45 = tpu.memref_squeeze %dma_start3A_44 : memref<1x625x128xf32, #tpu.memory_space<hbm>> -> memref<625x128xf32, #tpu.memory_space<hbm>>
      %dma_start3A_46 = arith.constant 0 : i32
      %dma_start3A_47 = tpu.memref_slice %arg11[%mul3A_40, %dma_start3A_46] : memref<10000x128xf32, #tpu.memory_space<vmem_shared>> -> memref<625x128xf32, #tpu.memory_space<vmem_shared>>
      tpu.enqueue_dma source(%dma_start3A_47 : memref<625x128xf32, #tpu.memory_space<vmem_shared>>) target(%dma_start3A_45 : memref<625x128xf32, #tpu.memory_space<hbm>>) target_semaphore(%run_scoped3A : memref<!tpu.dma_semaphore, #tpu.memory_space<semaphore_mem>>)
      %dma_wait3A_48 = arith.constant 0 : i32
      %dma_wait3A_49 = tpu.memref_slice %arg6[%arg0, %mul3A_42, %dma_wait3A_48] : memref<2x10000x128xf32, #tpu.memory_space<hbm>> -> memref<1x625x128xf32, #tpu.memory_space<hbm>>
      %dma_wait3A_50 = tpu.memref_squeeze %dma_wait3A_49 : memref<1x625x128xf32, #tpu.memory_space<hbm>> -> memref<625x128xf32, #tpu.memory_space<hbm>>
      %dma_wait3A_51 = arith.constant 0 : i32
      %dma_wait3A_52 = tpu.memref_slice %arg11[%mul3A_40, %dma_wait3A_51] : memref<10000x128xf32, #tpu.memory_space<vmem_shared>> -> memref<625x128xf32, #tpu.memory_space<vmem_shared>>
      tpu.wait_dma2 semaphore(%run_scoped3A : memref<!tpu.dma_semaphore, #tpu.memory_space<semaphore_mem>>) src(%dma_wait3A_52 : memref<625x128xf32, #tpu.memory_space<vmem_shared>>) dst(%dma_wait3A_50 : memref<625x128xf32, #tpu.memory_space<hbm>>)
      tpu.yield
    }) : () -> ()
    return
  }
}

#map = affine_map<(d0, d1) -> (0, 0)>
#map1 = affine_map<(d0, d1) -> (0)>
#map2 = affine_map<(d0, d1) -> (0, 0, 0)>
module attributes {stable_mosaic.version = 14 : i64} {
  func.func @_msg_kernel_body(%arg0: i32, %arg1: i32, %arg2: memref<10240x128xf32, #tpu.memory_space<hbm>>, %arg3: memref<320000xi32, #tpu.memory_space<hbm>>, %arg4: memref<320000xi32, #tpu.memory_space<hbm>>, %arg5: memref<10000x128xf32, #tpu.memory_space<hbm>>, %arg6: memref<2x10000x128xf32, #tpu.memory_space<hbm>>, %arg7: memref<10000xi32, #tpu.memory_space<vmem>>, %arg8: memref<10000xi32, #tpu.memory_space<vmem>>, %arg9: memref<112x128xf32, #tpu.memory_space<vmem>>, %arg10: memref<112x128xf32, #tpu.memory_space<vmem>>, %arg11: memref<10000x128xf32, #tpu.memory_space<vmem_shared>>, %arg12: memref<!tpu.dma_semaphore, #tpu.memory_space<semaphore_mem>>, %arg13: memref<!tpu.dma_semaphore, #tpu.memory_space<semaphore_mem>>) attributes {dimension_semantics = [#tpu.dimension_semantics<core_parallel>, #tpu.dimension_semantics<subcore_parallel>], iteration_bounds = array<i64: 2, 16>, scalar_prefetch = 0 : i64, scratch_operands = 7 : i64, tpu.core_type = #tpu.core_type<sc_vector_subcore>, window_params = [{transform_indices = #map}, {transform_indices = #map1}, {transform_indices = #map1}, {transform_indices = #map}, {transform_indices = #map2}]} {
    %mul3A = arith.constant 2 : i32
    %mul3A_0 = arith.muli %arg1, %mul3A : i32
    %add3A = arith.addi %mul3A_0, %arg0 : i32
    %mul3A_1 = arith.constant 10000 : i32
    %mul3A_2 = arith.muli %add3A, %mul3A_1 : i32
    "tpu.region"() ({
      %run_scoped3A = tpu.sem_alloc : memref<!tpu.dma_semaphore, #tpu.memory_space<semaphore_mem>>
      %dma_start3A_43 = tpu.memref_slice %arg3[%mul3A_2] : memref<320000xi32, #tpu.memory_space<hbm>> -> memref<10000xi32, #tpu.memory_space<hbm>>
      %dma_start3A_44 = tpu.memref_slice %arg3[%mul3A_2] : memref<320000xi32, #tpu.memory_space<hbm>> -> memref<10000xi32, #tpu.memory_space<hbm>>
      tpu.enqueue_dma source(%dma_start3A_44 : memref<10000xi32, #tpu.memory_space<hbm>>) target(%arg7 : memref<10000xi32, #tpu.memory_space<vmem>>) target_semaphore(%run_scoped3A : memref<!tpu.dma_semaphore, #tpu.memory_space<semaphore_mem>>)
      %dma_wait3A_45 = tpu.memref_slice %arg3[%mul3A_2] : memref<320000xi32, #tpu.memory_space<hbm>> -> memref<10000xi32, #tpu.memory_space<hbm>>
      %dma_wait3A_46 = tpu.memref_slice %arg3[%mul3A_2] : memref<320000xi32, #tpu.memory_space<hbm>> -> memref<10000xi32, #tpu.memory_space<hbm>>
      tpu.wait_dma2 semaphore(%run_scoped3A : memref<!tpu.dma_semaphore, #tpu.memory_space<semaphore_mem>>) src(%dma_wait3A_46 : memref<10000xi32, #tpu.memory_space<hbm>>) dst(%arg7 : memref<10000xi32, #tpu.memory_space<vmem>>)
      tpu.yield
    }) : () -> ()
    %mul3A_3 = arith.constant 10000 : i32
    %mul3A_4 = arith.muli %add3A, %mul3A_3 : i32
    "tpu.region"() ({
      %run_scoped3A = tpu.sem_alloc : memref<!tpu.dma_semaphore, #tpu.memory_space<semaphore_mem>>
      %dma_start3A_43 = tpu.memref_slice %arg4[%mul3A_4] : memref<320000xi32, #tpu.memory_space<hbm>> -> memref<10000xi32, #tpu.memory_space<hbm>>
      %dma_start3A_44 = tpu.memref_slice %arg4[%mul3A_4] : memref<320000xi32, #tpu.memory_space<hbm>> -> memref<10000xi32, #tpu.memory_space<hbm>>
      tpu.enqueue_dma source(%dma_start3A_44 : memref<10000xi32, #tpu.memory_space<hbm>>) target(%arg8 : memref<10000xi32, #tpu.memory_space<vmem>>) target_semaphore(%run_scoped3A : memref<!tpu.dma_semaphore, #tpu.memory_space<semaphore_mem>>)
      %dma_wait3A_45 = tpu.memref_slice %arg4[%mul3A_4] : memref<320000xi32, #tpu.memory_space<hbm>> -> memref<10000xi32, #tpu.memory_space<hbm>>
      %dma_wait3A_46 = tpu.memref_slice %arg4[%mul3A_4] : memref<320000xi32, #tpu.memory_space<hbm>> -> memref<10000xi32, #tpu.memory_space<hbm>>
      tpu.wait_dma2 semaphore(%run_scoped3A : memref<!tpu.dma_semaphore, #tpu.memory_space<semaphore_mem>>) src(%dma_wait3A_46 : memref<10000xi32, #tpu.memory_space<hbm>>) dst(%arg8 : memref<10000xi32, #tpu.memory_space<vmem>>)
      tpu.yield
    }) : () -> ()
    %mul3A_5 = arith.constant 625 : i32
    %mul3A_6 = arith.muli %arg1, %mul3A_5 : i32
    %mul3A_7 = arith.constant 625 : i32
    %mul3A_8 = arith.muli %arg1, %mul3A_7 : i32
    "tpu.region"() ({
      %run_scoped3A = tpu.sem_alloc : memref<!tpu.dma_semaphore, #tpu.memory_space<semaphore_mem>>
      %dma_start3A_43 = arith.constant 0 : i32
      %dma_start3A_44 = tpu.memref_slice %arg11[%mul3A_8, %dma_start3A_43] : memref<10000x128xf32, #tpu.memory_space<vmem_shared>> -> memref<625x128xf32, #tpu.memory_space<vmem_shared>>
      %dma_start3A_45 = arith.constant 0 : i32
      %dma_start3A_46 = tpu.memref_slice %arg5[%mul3A_6, %dma_start3A_45] : memref<10000x128xf32, #tpu.memory_space<hbm>> -> memref<625x128xf32, #tpu.memory_space<hbm>>
      tpu.enqueue_dma source(%dma_start3A_46 : memref<625x128xf32, #tpu.memory_space<hbm>>) target(%dma_start3A_44 : memref<625x128xf32, #tpu.memory_space<vmem_shared>>) target_semaphore(%run_scoped3A : memref<!tpu.dma_semaphore, #tpu.memory_space<semaphore_mem>>)
      %dma_wait3A_47 = arith.constant 0 : i32
      %dma_wait3A_48 = tpu.memref_slice %arg11[%mul3A_8, %dma_wait3A_47] : memref<10000x128xf32, #tpu.memory_space<vmem_shared>> -> memref<625x128xf32, #tpu.memory_space<vmem_shared>>
      %dma_wait3A_49 = arith.constant 0 : i32
      %dma_wait3A_50 = tpu.memref_slice %arg5[%mul3A_6, %dma_wait3A_49] : memref<10000x128xf32, #tpu.memory_space<hbm>> -> memref<625x128xf32, #tpu.memory_space<hbm>>
      tpu.wait_dma2 semaphore(%run_scoped3A : memref<!tpu.dma_semaphore, #tpu.memory_space<semaphore_mem>>) src(%dma_wait3A_50 : memref<625x128xf32, #tpu.memory_space<hbm>>) dst(%dma_wait3A_48 : memref<625x128xf32, #tpu.memory_space<vmem_shared>>)
      tpu.yield
    }) : () -> ()
    %barrier3A = arith.constant 0 : index
    tpu.barrier barrier_id(%barrier3A)
    %dma_start3A = arith.constant 0 : i32
    %dma_start3A_9 = tpu.memref_slice %arg7[%dma_start3A] : memref<10000xi32, #tpu.memory_space<vmem>> -> memref<112xi32, #tpu.memory_space<vmem>>
    %dma_start3A_10 = arith.constant 0 : i32
    %dma_start3A_11 = arith.constant 0 : i32
    %dma_start3A_12 = tpu.memref_slice %arg2[%dma_start3A_10, %dma_start3A_11] : memref<10240x128xf32, #tpu.memory_space<hbm>> -> memref<10240x128xf32, #tpu.memory_space<hbm>>
    tpu.enqueue_indirect_dma source(%dma_start3A_12 : memref<10240x128xf32, #tpu.memory_space<hbm>>) target(%arg9 : memref<112x128xf32, #tpu.memory_space<vmem>>) offsets(%dma_start3A_9 : memref<112xi32, #tpu.memory_space<vmem>>) semaphore(%arg12 : memref<!tpu.dma_semaphore, #tpu.memory_space<semaphore_mem>>)
    %scan3A = arith.constant 0 : i32
    %scan3A_13 = arith.constant 0 : i32
    %scan3A_14 = arith.constant 44 : i32
    %scan3A_15 = arith.addi %scan3A_13, %scan3A_14 : i32
    %scan3A_16 = arith.constant 1 : i32
    scf.for %scan3A_43 = %scan3A_13 to %scan3A_15 step %scan3A_16  : i32 {
      %mul3A_44 = arith.constant 2 : i32
      %mul3A_45 = arith.muli %mul3A_44, %scan3A_43 : i32
      %add3A_46 = arith.constant 1 : i32
      %add3A_47 = arith.addi %mul3A_45, %add3A_46 : i32
      %mul3A_48 = arith.constant 112 : i32
      %mul3A_49 = arith.muli %add3A_47, %mul3A_48 : i32
      %dma_start3A_50 = tpu.memref_slice %arg7[%mul3A_49] : memref<10000xi32, #tpu.memory_space<vmem>> -> memref<112xi32, #tpu.memory_space<vmem>>
      %dma_start3A_51 = arith.constant 0 : i32
      %dma_start3A_52 = arith.constant 0 : i32
      %dma_start3A_53 = tpu.memref_slice %arg2[%dma_start3A_51, %dma_start3A_52] : memref<10240x128xf32, #tpu.memory_space<hbm>> -> memref<10240x128xf32, #tpu.memory_space<hbm>>
      tpu.enqueue_indirect_dma source(%dma_start3A_53 : memref<10240x128xf32, #tpu.memory_space<hbm>>) target(%arg10 : memref<112x128xf32, #tpu.memory_space<vmem>>) offsets(%dma_start3A_50 : memref<112xi32, #tpu.memory_space<vmem>>) semaphore(%arg13 : memref<!tpu.dma_semaphore, #tpu.memory_space<semaphore_mem>>)
      %mul3A_54 = arith.constant 112 : i32
      %mul3A_55 = arith.muli %mul3A_45, %mul3A_54 : i32
      %dma_wait3A_56 = tpu.memref_slice %arg7[%mul3A_55] : memref<10000xi32, #tpu.memory_space<vmem>> -> memref<112xi32, #tpu.memory_space<vmem>>
      %dma_wait3A_57 = arith.constant 0 : i32
      %dma_wait3A_58 = arith.constant 0 : i32
      %dma_wait3A_59 = tpu.memref_slice %arg2[%dma_wait3A_57, %dma_wait3A_58] : memref<10240x128xf32, #tpu.memory_space<hbm>> -> memref<10240x128xf32, #tpu.memory_space<hbm>>
      tpu.wait_indirect_dma semaphore(%arg12 : memref<!tpu.dma_semaphore, #tpu.memory_space<semaphore_mem>>) src(%dma_wait3A_59 : memref<10240x128xf32, #tpu.memory_space<hbm>>) dst(%arg9 : memref<112x128xf32, #tpu.memory_space<vmem>>)
      %mul3A_60 = arith.constant 112 : i32
      %mul3A_61 = arith.muli %mul3A_45, %mul3A_60 : i32
      "tpu.region"() ({
        %run_scoped3A = tpu.sem_alloc : memref<!tpu.dma_semaphore, #tpu.memory_space<semaphore_mem>>
        %dma_start3A_82 = tpu.memref_slice %arg8[%mul3A_61] : memref<10000xi32, #tpu.memory_space<vmem>> -> memref<112xi32, #tpu.memory_space<vmem>>
        %dma_start3A_83 = arith.constant 0 : i32
        %dma_start3A_84 = arith.constant 0 : i32
        %dma_start3A_85 = tpu.memref_slice %arg11[%dma_start3A_83, %dma_start3A_84] : memref<10000x128xf32, #tpu.memory_space<vmem_shared>> -> memref<10000x128xf32, #tpu.memory_space<vmem_shared>>
        tpu.enqueue_indirect_dma source(%arg9 : memref<112x128xf32, #tpu.memory_space<vmem>>) target(%dma_start3A_85 : memref<10000x128xf32, #tpu.memory_space<vmem_shared>>) offsets(%dma_start3A_82 : memref<112xi32, #tpu.memory_space<vmem>>) semaphore(%run_scoped3A : memref<!tpu.dma_semaphore, #tpu.memory_space<semaphore_mem>>) {add = true}
        %dma_wait3A_86 = tpu.memref_slice %arg8[%mul3A_61] : memref<10000xi32, #tpu.memory_space<vmem>> -> memref<112xi32, #tpu.memory_space<vmem>>
        %dma_wait3A_87 = arith.constant 0 : i32
        %dma_wait3A_88 = arith.constant 0 : i32
        %dma_wait3A_89 = tpu.memref_slice %arg11[%dma_wait3A_87, %dma_wait3A_88] : memref<10000x128xf32, #tpu.memory_space<vmem_shared>> -> memref<10000x128xf32, #tpu.memory_space<vmem_shared>>
        tpu.wait_indirect_dma semaphore(%run_scoped3A : memref<!tpu.dma_semaphore, #tpu.memory_space<semaphore_mem>>) src(%arg9 : memref<112x128xf32, #tpu.memory_space<vmem>>) dst(%dma_wait3A_89 : memref<10000x128xf32, #tpu.memory_space<vmem_shared>>)
        tpu.yield
      }) : () -> ()
      %add3A_62 = arith.constant 2 : i32
      %add3A_63 = arith.addi %mul3A_45, %add3A_62 : i32
      %mul3A_64 = arith.constant 112 : i32
      %mul3A_65 = arith.muli %add3A_63, %mul3A_64 : i32
      %dma_start3A_66 = tpu.memref_slice %arg7[%mul3A_65] : memref<10000xi32, #tpu.memory_space<vmem>> -> memref<112xi32, #tpu.memory_space<vmem>>
      %dma_start3A_67 = arith.constant 0 : i32
      %dma_start3A_68 = arith.constant 0 : i32
      %dma_start3A_69 = tpu.memref_slice %arg2[%dma_start3A_67, %dma_start3A_68] : memref<10240x128xf32, #tpu.memory_space<hbm>> -> memref<10240x128xf32, #tpu.memory_space<hbm>>
      tpu.enqueue_indirect_dma source(%dma_start3A_69 : memref<10240x128xf32, #tpu.memory_space<hbm>>) target(%arg9 : memref<112x128xf32, #tpu.memory_space<vmem>>) offsets(%dma_start3A_66 : memref<112xi32, #tpu.memory_space<vmem>>) semaphore(%arg12 : memref<!tpu.dma_semaphore, #tpu.memory_space<semaphore_mem>>)
      %add3A_70 = arith.constant 1 : i32
      %add3A_71 = arith.addi %mul3A_45, %add3A_70 : i32
      %mul3A_72 = arith.constant 112 : i32
      %mul3A_73 = arith.muli %add3A_71, %mul3A_72 : i32
      %dma_wait3A_74 = tpu.memref_slice %arg7[%mul3A_73] : memref<10000xi32, #tpu.memory_space<vmem>> -> memref<112xi32, #tpu.memory_space<vmem>>
      %dma_wait3A_75 = arith.constant 0 : i32
      %dma_wait3A_76 = arith.constant 0 : i32
      %dma_wait3A_77 = tpu.memref_slice %arg2[%dma_wait3A_75, %dma_wait3A_76] : memref<10240x128xf32, #tpu.memory_space<hbm>> -> memref<10240x128xf32, #tpu.memory_space<hbm>>
      tpu.wait_indirect_dma semaphore(%arg13 : memref<!tpu.dma_semaphore, #tpu.memory_space<semaphore_mem>>) src(%dma_wait3A_77 : memref<10240x128xf32, #tpu.memory_space<hbm>>) dst(%arg10 : memref<112x128xf32, #tpu.memory_space<vmem>>)
      %add3A_78 = arith.constant 1 : i32
      %add3A_79 = arith.addi %mul3A_45, %add3A_78 : i32
      %mul3A_80 = arith.constant 112 : i32
      %mul3A_81 = arith.muli %add3A_79, %mul3A_80 : i32
      "tpu.region"() ({
        %run_scoped3A = tpu.sem_alloc : memref<!tpu.dma_semaphore, #tpu.memory_space<semaphore_mem>>
        %dma_start3A_82 = tpu.memref_slice %arg8[%mul3A_81] : memref<10000xi32, #tpu.memory_space<vmem>> -> memref<112xi32, #tpu.memory_space<vmem>>
        %dma_start3A_83 = arith.constant 0 : i32
        %dma_start3A_84 = arith.constant 0 : i32
        %dma_start3A_85 = tpu.memref_slice %arg11[%dma_start3A_83, %dma_start3A_84] : memref<10000x128xf32, #tpu.memory_space<vmem_shared>> -> memref<10000x128xf32, #tpu.memory_space<vmem_shared>>
        tpu.enqueue_indirect_dma source(%arg10 : memref<112x128xf32, #tpu.memory_space<vmem>>) target(%dma_start3A_85 : memref<10000x128xf32, #tpu.memory_space<vmem_shared>>) offsets(%dma_start3A_82 : memref<112xi32, #tpu.memory_space<vmem>>) semaphore(%run_scoped3A : memref<!tpu.dma_semaphore, #tpu.memory_space<semaphore_mem>>) {add = true}
        %dma_wait3A_86 = tpu.memref_slice %arg8[%mul3A_81] : memref<10000xi32, #tpu.memory_space<vmem>> -> memref<112xi32, #tpu.memory_space<vmem>>
        %dma_wait3A_87 = arith.constant 0 : i32
        %dma_wait3A_88 = arith.constant 0 : i32
        %dma_wait3A_89 = tpu.memref_slice %arg11[%dma_wait3A_87, %dma_wait3A_88] : memref<10000x128xf32, #tpu.memory_space<vmem_shared>> -> memref<10000x128xf32, #tpu.memory_space<vmem_shared>>
        tpu.wait_indirect_dma semaphore(%run_scoped3A : memref<!tpu.dma_semaphore, #tpu.memory_space<semaphore_mem>>) src(%arg10 : memref<112x128xf32, #tpu.memory_space<vmem>>) dst(%dma_wait3A_89 : memref<10000x128xf32, #tpu.memory_space<vmem_shared>>)
        tpu.yield
      }) : () -> ()
    }
    %scan3A_17 = arith.constant 44 : i32
    %dma_start3A_18 = arith.constant 0 : i32
    %dma_start3A_19 = arith.constant 0 : i32
    %dma_start3A_20 = tpu.memref_slice %arg10[%dma_start3A_18, %dma_start3A_19] : memref<112x128xf32, #tpu.memory_space<vmem>> -> memref<32x128xf32, #tpu.memory_space<vmem>>
    %dma_start3A_21 = arith.constant 9968 : i32
    %dma_start3A_22 = tpu.memref_slice %arg7[%dma_start3A_21] : memref<10000xi32, #tpu.memory_space<vmem>> -> memref<32xi32, #tpu.memory_space<vmem>>
    %dma_start3A_23 = arith.constant 0 : i32
    %dma_start3A_24 = arith.constant 0 : i32
    %dma_start3A_25 = tpu.memref_slice %arg2[%dma_start3A_23, %dma_start3A_24] : memref<10240x128xf32, #tpu.memory_space<hbm>> -> memref<10240x128xf32, #tpu.memory_space<hbm>>
    tpu.enqueue_indirect_dma source(%dma_start3A_25 : memref<10240x128xf32, #tpu.memory_space<hbm>>) target(%dma_start3A_20 : memref<32x128xf32, #tpu.memory_space<vmem>>) offsets(%dma_start3A_22 : memref<32xi32, #tpu.memory_space<vmem>>) semaphore(%arg13 : memref<!tpu.dma_semaphore, #tpu.memory_space<semaphore_mem>>)
    %dma_wait3A = arith.constant 9856 : i32
    %dma_wait3A_26 = tpu.memref_slice %arg7[%dma_wait3A] : memref<10000xi32, #tpu.memory_space<vmem>> -> memref<112xi32, #tpu.memory_space<vmem>>
    %dma_wait3A_27 = arith.constant 0 : i32
    %dma_wait3A_28 = arith.constant 0 : i32
    %dma_wait3A_29 = tpu.memref_slice %arg2[%dma_wait3A_27, %dma_wait3A_28] : memref<10240x128xf32, #tpu.memory_space<hbm>> -> memref<10240x128xf32, #tpu.memory_space<hbm>>
    tpu.wait_indirect_dma semaphore(%arg12 : memref<!tpu.dma_semaphore, #tpu.memory_space<semaphore_mem>>) src(%dma_wait3A_29 : memref<10240x128xf32, #tpu.memory_space<hbm>>) dst(%arg9 : memref<112x128xf32, #tpu.memory_space<vmem>>)
    "tpu.region"() ({
      %run_scoped3A = tpu.sem_alloc : memref<!tpu.dma_semaphore, #tpu.memory_space<semaphore_mem>>
      %dma_start3A_43 = arith.constant 9856 : i32
      %dma_start3A_44 = tpu.memref_slice %arg8[%dma_start3A_43] : memref<10000xi32, #tpu.memory_space<vmem>> -> memref<112xi32, #tpu.memory_space<vmem>>
      %dma_start3A_45 = arith.constant 0 : i32
      %dma_start3A_46 = arith.constant 0 : i32
      %dma_start3A_47 = tpu.memref_slice %arg11[%dma_start3A_45, %dma_start3A_46] : memref<10000x128xf32, #tpu.memory_space<vmem_shared>> -> memref<10000x128xf32, #tpu.memory_space<vmem_shared>>
      tpu.enqueue_indirect_dma source(%arg9 : memref<112x128xf32, #tpu.memory_space<vmem>>) target(%dma_start3A_47 : memref<10000x128xf32, #tpu.memory_space<vmem_shared>>) offsets(%dma_start3A_44 : memref<112xi32, #tpu.memory_space<vmem>>) semaphore(%run_scoped3A : memref<!tpu.dma_semaphore, #tpu.memory_space<semaphore_mem>>) {add = true}
      %dma_wait3A_48 = arith.constant 9856 : i32
      %dma_wait3A_49 = tpu.memref_slice %arg8[%dma_wait3A_48] : memref<10000xi32, #tpu.memory_space<vmem>> -> memref<112xi32, #tpu.memory_space<vmem>>
      %dma_wait3A_50 = arith.constant 0 : i32
      %dma_wait3A_51 = arith.constant 0 : i32
      %dma_wait3A_52 = tpu.memref_slice %arg11[%dma_wait3A_50, %dma_wait3A_51] : memref<10000x128xf32, #tpu.memory_space<vmem_shared>> -> memref<10000x128xf32, #tpu.memory_space<vmem_shared>>
      tpu.wait_indirect_dma semaphore(%run_scoped3A : memref<!tpu.dma_semaphore, #tpu.memory_space<semaphore_mem>>) src(%arg9 : memref<112x128xf32, #tpu.memory_space<vmem>>) dst(%dma_wait3A_52 : memref<10000x128xf32, #tpu.memory_space<vmem_shared>>)
      tpu.yield
    }) : () -> ()
    %dma_wait3A_30 = arith.constant 0 : i32
    %dma_wait3A_31 = arith.constant 0 : i32
    %dma_wait3A_32 = tpu.memref_slice %arg10[%dma_wait3A_30, %dma_wait3A_31] : memref<112x128xf32, #tpu.memory_space<vmem>> -> memref<32x128xf32, #tpu.memory_space<vmem>>
    %dma_wait3A_33 = arith.constant 9968 : i32
    %dma_wait3A_34 = tpu.memref_slice %arg7[%dma_wait3A_33] : memref<10000xi32, #tpu.memory_space<vmem>> -> memref<32xi32, #tpu.memory_space<vmem>>
    %dma_wait3A_35 = arith.constant 0 : i32
    %dma_wait3A_36 = arith.constant 0 : i32
    %dma_wait3A_37 = tpu.memref_slice %arg2[%dma_wait3A_35, %dma_wait3A_36] : memref<10240x128xf32, #tpu.memory_space<hbm>> -> memref<10240x128xf32, #tpu.memory_space<hbm>>
    tpu.wait_indirect_dma semaphore(%arg13 : memref<!tpu.dma_semaphore, #tpu.memory_space<semaphore_mem>>) src(%dma_wait3A_37 : memref<10240x128xf32, #tpu.memory_space<hbm>>) dst(%dma_wait3A_32 : memref<32x128xf32, #tpu.memory_space<vmem>>)
    "tpu.region"() ({
      %run_scoped3A = tpu.sem_alloc : memref<!tpu.dma_semaphore, #tpu.memory_space<semaphore_mem>>
      %dma_start3A_43 = arith.constant 0 : i32
      %dma_start3A_44 = arith.constant 0 : i32
      %dma_start3A_45 = tpu.memref_slice %arg10[%dma_start3A_43, %dma_start3A_44] : memref<112x128xf32, #tpu.memory_space<vmem>> -> memref<32x128xf32, #tpu.memory_space<vmem>>
      %dma_start3A_46 = arith.constant 9968 : i32
      %dma_start3A_47 = tpu.memref_slice %arg8[%dma_start3A_46] : memref<10000xi32, #tpu.memory_space<vmem>> -> memref<32xi32, #tpu.memory_space<vmem>>
      %dma_start3A_48 = arith.constant 0 : i32
      %dma_start3A_49 = arith.constant 0 : i32
      %dma_start3A_50 = tpu.memref_slice %arg11[%dma_start3A_48, %dma_start3A_49] : memref<10000x128xf32, #tpu.memory_space<vmem_shared>> -> memref<10000x128xf32, #tpu.memory_space<vmem_shared>>
      tpu.enqueue_indirect_dma source(%dma_start3A_45 : memref<32x128xf32, #tpu.memory_space<vmem>>) target(%dma_start3A_50 : memref<10000x128xf32, #tpu.memory_space<vmem_shared>>) offsets(%dma_start3A_47 : memref<32xi32, #tpu.memory_space<vmem>>) semaphore(%run_scoped3A : memref<!tpu.dma_semaphore, #tpu.memory_space<semaphore_mem>>) {add = true}
      %dma_wait3A_51 = arith.constant 0 : i32
      %dma_wait3A_52 = arith.constant 0 : i32
      %dma_wait3A_53 = tpu.memref_slice %arg10[%dma_wait3A_51, %dma_wait3A_52] : memref<112x128xf32, #tpu.memory_space<vmem>> -> memref<32x128xf32, #tpu.memory_space<vmem>>
      %dma_wait3A_54 = arith.constant 9968 : i32
      %dma_wait3A_55 = tpu.memref_slice %arg8[%dma_wait3A_54] : memref<10000xi32, #tpu.memory_space<vmem>> -> memref<32xi32, #tpu.memory_space<vmem>>
      %dma_wait3A_56 = arith.constant 0 : i32
      %dma_wait3A_57 = arith.constant 0 : i32
      %dma_wait3A_58 = tpu.memref_slice %arg11[%dma_wait3A_56, %dma_wait3A_57] : memref<10000x128xf32, #tpu.memory_space<vmem_shared>> -> memref<10000x128xf32, #tpu.memory_space<vmem_shared>>
      tpu.wait_indirect_dma semaphore(%run_scoped3A : memref<!tpu.dma_semaphore, #tpu.memory_space<semaphore_mem>>) src(%dma_wait3A_53 : memref<32x128xf32, #tpu.memory_space<vmem>>) dst(%dma_wait3A_58 : memref<10000x128xf32, #tpu.memory_space<vmem_shared>>)
      tpu.yield
    }) : () -> ()
    %barrier3A_38 = arith.constant 0 : index
    tpu.barrier barrier_id(%barrier3A_38)
    %mul3A_39 = arith.constant 625 : i32
    %mul3A_40 = arith.muli %arg1, %mul3A_39 : i32
    %mul3A_41 = arith.constant 625 : i32
    %mul3A_42 = arith.muli %arg1, %mul3A_41 : i32
    "tpu.region"() ({
      %run_scoped3A = tpu.sem_alloc : memref<!tpu.dma_semaphore, #tpu.memory_space<semaphore_mem>>
      %dma_start3A_43 = arith.constant 0 : i32
      %dma_start3A_44 = tpu.memref_slice %arg6[%arg0, %mul3A_42, %dma_start3A_43] : memref<2x10000x128xf32, #tpu.memory_space<hbm>> -> memref<1x625x128xf32, #tpu.memory_space<hbm>>
      %dma_start3A_45 = tpu.memref_squeeze %dma_start3A_44 : memref<1x625x128xf32, #tpu.memory_space<hbm>> -> memref<625x128xf32, #tpu.memory_space<hbm>>
      %dma_start3A_46 = arith.constant 0 : i32
      %dma_start3A_47 = tpu.memref_slice %arg11[%mul3A_40, %dma_start3A_46] : memref<10000x128xf32, #tpu.memory_space<vmem_shared>> -> memref<625x128xf32, #tpu.memory_space<vmem_shared>>
      tpu.enqueue_dma source(%dma_start3A_47 : memref<625x128xf32, #tpu.memory_space<vmem_shared>>) target(%dma_start3A_45 : memref<625x128xf32, #tpu.memory_space<hbm>>) target_semaphore(%run_scoped3A : memref<!tpu.dma_semaphore, #tpu.memory_space<semaphore_mem>>)
      %dma_wait3A_48 = arith.constant 0 : i32
      %dma_wait3A_49 = tpu.memref_slice %arg6[%arg0, %mul3A_42, %dma_wait3A_48] : memref<2x10000x128xf32, #tpu.memory_space<hbm>> -> memref<1x625x128xf32, #tpu.memory_space<hbm>>
      %dma_wait3A_50 = tpu.memref_squeeze %dma_wait3A_49 : memref<1x625x128xf32, #tpu.memory_space<hbm>> -> memref<625x128xf32, #tpu.memory_space<hbm>>
      %dma_wait3A_51 = arith.constant 0 : i32
      %dma_wait3A_52 = tpu.memref_slice %arg11[%mul3A_40, %dma_wait3A_51] : memref<10000x128xf32, #tpu.memory_space<vmem_shared>> -> memref<625x128xf32, #tpu.memory_space<vmem_shared>>
      tpu.wait_dma2 semaphore(%run_scoped3A : memref<!tpu.dma_semaphore, #tpu.memory_space<semaphore_mem>>) src(%dma_wait3A_52 : memref<625x128xf32, #tpu.memory_space<vmem_shared>>) dst(%dma_wait3A_50 : memref<625x128xf32, #tpu.memory_space<hbm>>)
      tpu.yield
    }) : () -> ()
    return
  }
}

module attributes {stable_mosaic.version = 14 : i64} {
  func.func @_tc1_body(%arg0: i32, %arg1: memref<2560x128xf32, #tpu.memory_space<vmem>>, %arg2: memref<2x2560x8xf32, #tpu.memory_space<vmem>>, %arg3: memref<128x128xf32, #tpu.memory_space<vmem>>, %arg4: memref<2560x128xf32, #tpu.memory_space<vmem>>) attributes {dimension_semantics = [#tpu.dimension_semantics<arbitrary>], iteration_bounds = array<i64: 4>, scalar_prefetch = 0 : i64, scratch_operands = 0 : i64, tpu.core_type = #tpu.core_type<tc>, window_params = [{transform_indices = @transform_0, window_bounds = array<i64: 2560, 128>}, {transform_indices = @transform_1, window_bounds = array<i64: 2, 2560, 8>}, {pipeline_mode = #tpu.pipeline_mode<synchronous>, transform_indices = @transform_2, window_bounds = array<i64: 128, 128>}, {transform_indices = @transform_3, window_bounds = array<i64: 2560, 128>}]} {
    %get3A = arith.constant 0 : index
    %get3A_0 = arith.constant 0 : index
    %get3A_1 = arith.constant 0 : index
    %get3A_2 = vector.load %arg2[%get3A, %get3A_0, %get3A_1] : memref<2x2560x8xf32, #tpu.memory_space<vmem>>, vector<2x2560x8xf32>
    %slice3A = vector.extract_strided_slice %get3A_2 {offsets = [0, 0, 0], sizes = [2, 2560, 1], strides = [1, 1, 1]} : vector<2x2560x8xf32> to vector<2x2560x1xf32>
    %max3A = arith.constant 1.000000e+00 : f32
    %max3A_3 = vector.broadcast %max3A : f32 to vector<2x2560x1xf32>
    %max3A_4 = arith.maximumf %slice3A, %max3A_3 : vector<2x2560x1xf32>
    %rsqrt3A = math.rsqrt %max3A_4 : vector<2x2560x1xf32>
    %slice3A_5 = vector.extract_strided_slice %rsqrt3A {offsets = [0, 0, 0], sizes = [1, 2560, 1], strides = [1, 1, 1]} : vector<2x2560x1xf32> to vector<1x2560x1xf32>
    %squeeze3A = vector.shape_cast %slice3A_5 : vector<1x2560x1xf32> to vector<2560x1xf32>
    %get3A_6 = arith.constant 0 : index
    %get3A_7 = arith.constant 0 : index
    %get3A_8 = vector.load %arg1[%get3A_6, %get3A_7] : memref<2560x128xf32, #tpu.memory_space<vmem>>, vector<2560x128xf32>
    %mul3A = vector.broadcast %squeeze3A : vector<2560x1xf32> to vector<2560x128xf32>
    %mul3A_9 = arith.mulf %get3A_8, %mul3A : vector<2560x128xf32>
    %get3A_10 = arith.constant 0 : index
    %get3A_11 = arith.constant 0 : index
    %get3A_12 = vector.load %arg3[%get3A_10, %get3A_11] : memref<128x128xf32, #tpu.memory_space<vmem>>, vector<128x128xf32>
    %dot_general3A = arith.constant dense<0.000000e+00> : vector<2560x128xf32>
    %dot_general3A_13 = tpu.matmul %mul3A_9, %get3A_12, %dot_general3A {dimension_numbers = #tpu.dot_dimension_numbers<[1], [0], [0], [1], [0, 0, 1, 1], [], []>, transpose_lhs_hint = false} : vector<2560x128xf32>, vector<128x128xf32>, vector<2560x128xf32> -> vector<2560x128xf32>
    %swap3A = arith.constant 0 : index
    %swap3A_14 = arith.constant 0 : index
    %swap3A_15 = vector.load %arg4[%swap3A, %swap3A_14] : memref<2560x128xf32, #tpu.memory_space<vmem>>, vector<2560x128xf32>
    tpu.vector_store %arg4[%swap3A, %swap3A_14], %dot_general3A_13 {strides = array<i32>} : memref<2560x128xf32, #tpu.memory_space<vmem>>, vector<2560x128xf32>,
    return
  }
  func.func @transform_0(%arg0: i32) -> (i32, i32) {
    %c0_i32 = arith.constant 0 : i32
    %c0_i32_0 = arith.constant 0 : i32
    return %arg0, %c0_i32 : i32, i32
  }
  func.func @transform_1(%arg0: i32) -> (i32, i32, i32) {
    %c0_i32 = arith.constant 0 : i32
    %c0_i32_0 = arith.constant 0 : i32
    %c0_i32_1 = arith.constant 0 : i32
    return %c0_i32, %arg0, %c0_i32_0 : i32, i32, i32
  }
  func.func @transform_2(%arg0: i32) -> (i32, i32) {
    %c0_i32 = arith.constant 0 : i32
    %c0_i32_0 = arith.constant 0 : i32
    %c0_i32_1 = arith.constant 0 : i32
    return %c0_i32, %c0_i32_0 : i32, i32
  }
  func.func @transform_3(%arg0: i32) -> (i32, i32) {
    %c0_i32 = arith.constant 0 : i32
    %c0_i32_0 = arith.constant 0 : i32
    return %arg0, %c0_i32 : i32, i32
  }
}

module attributes {stable_mosaic.version = 14 : i64} {
  func.func @_tc_mid_body(%arg0: i32, %arg1: memref<2x2560x128xf32, #tpu.memory_space<vmem>>, %arg2: memref<2x2560x8xf32, #tpu.memory_space<vmem>>, %arg3: memref<1x128xf32, #tpu.memory_space<vmem>>, %arg4: memref<128x128xf32, #tpu.memory_space<vmem>>, %arg5: memref<2560x128xf32, #tpu.memory_space<vmem>>) attributes {dimension_semantics = [#tpu.dimension_semantics<arbitrary>], iteration_bounds = array<i64: 4>, scalar_prefetch = 0 : i64, scratch_operands = 0 : i64, tpu.core_type = #tpu.core_type<tc>, window_params = [{transform_indices = @transform_0, window_bounds = array<i64: 2, 2560, 128>}, {transform_indices = @transform_1, window_bounds = array<i64: 2, 2560, 8>}, {pipeline_mode = #tpu.pipeline_mode<synchronous>, transform_indices = @transform_2, window_bounds = array<i64: 1, 128>}, {pipeline_mode = #tpu.pipeline_mode<synchronous>, transform_indices = @transform_3, window_bounds = array<i64: 128, 128>}, {transform_indices = @transform_4, window_bounds = array<i64: 2560, 128>}]} {
    %get3A = arith.constant 0 : index
    %get3A_0 = arith.constant 0 : index
    %get3A_1 = arith.constant 0 : index
    %get3A_2 = vector.load %arg2[%get3A, %get3A_0, %get3A_1] : memref<2x2560x8xf32, #tpu.memory_space<vmem>>, vector<2x2560x8xf32>
    %slice3A = vector.extract_strided_slice %get3A_2 {offsets = [0, 0, 0], sizes = [2, 2560, 1], strides = [1, 1, 1]} : vector<2x2560x8xf32> to vector<2x2560x1xf32>
    %max3A = arith.constant 1.000000e+00 : f32
    %max3A_3 = vector.broadcast %max3A : f32 to vector<2x2560x1xf32>
    %max3A_4 = arith.maximumf %slice3A, %max3A_3 : vector<2x2560x1xf32>
    %rsqrt3A = math.rsqrt %max3A_4 : vector<2x2560x1xf32>
    %slice3A_5 = vector.extract_strided_slice %rsqrt3A {offsets = [0, 0, 0], sizes = [1, 2560, 1], strides = [1, 1, 1]} : vector<2x2560x1xf32> to vector<1x2560x1xf32>
    %squeeze3A = vector.shape_cast %slice3A_5 : vector<1x2560x1xf32> to vector<2560x1xf32>
    %slice3A_6 = vector.extract_strided_slice %rsqrt3A {offsets = [1, 0, 0], sizes = [1, 2560, 1], strides = [1, 1, 1]} : vector<2x2560x1xf32> to vector<1x2560x1xf32>
    %squeeze3A_7 = vector.shape_cast %slice3A_6 : vector<1x2560x1xf32> to vector<2560x1xf32>
    %get3A_8 = arith.constant 0 : index
    %get3A_9 = arith.constant 0 : index
    %get3A_10 = arith.constant 0 : index
    %get3A_11 = vector.load %arg1[%get3A_8, %get3A_9, %get3A_10] : memref<2x2560x128xf32, #tpu.memory_space<vmem>>, vector<1x2560x128xf32>
    %get3A_12 = vector.shape_cast %get3A_11 : vector<1x2560x128xf32> to vector<2560x128xf32>
    %get3A_13 = arith.constant 1 : index
    %get3A_14 = arith.constant 0 : index
    %get3A_15 = arith.constant 0 : index
    %get3A_16 = vector.load %arg1[%get3A_13, %get3A_14, %get3A_15] : memref<2x2560x128xf32, #tpu.memory_space<vmem>>, vector<1x2560x128xf32>
    %get3A_17 = vector.shape_cast %get3A_16 : vector<1x2560x128xf32> to vector<2560x128xf32>
    %add3A = arith.addf %get3A_12, %get3A_17 : vector<2560x128xf32>
    %mul3A = vector.broadcast %squeeze3A_7 : vector<2560x1xf32> to vector<2560x128xf32>
    %mul3A_18 = arith.mulf %add3A, %mul3A : vector<2560x128xf32>
    %get3A_19 = arith.constant 0 : index
    %get3A_20 = arith.constant 0 : index
    %get3A_21 = vector.load %arg3[%get3A_19, %get3A_20] : memref<1x128xf32, #tpu.memory_space<vmem>>, vector<1x128xf32>
    %add3A_22 = vector.broadcast %get3A_21 : vector<1x128xf32> to vector<2560x128xf32>
    %add3A_23 = arith.addf %mul3A_18, %add3A_22 : vector<2560x128xf32>
    %gt3A = arith.constant 0.000000e+00 : f32
    %gt3A_24 = vector.broadcast %gt3A : f32 to vector<2560x128xf32>
    %gt3A_25 = arith.cmpf ogt, %add3A_23, %gt3A_24 : vector<2560x128xf32>
    %min3A = arith.constant 0.000000e+00 : f32
    %min3A_26 = vector.broadcast %min3A : f32 to vector<2560x128xf32>
    %min3A_27 = arith.minimumf %add3A_23, %min3A_26 : vector<2560x128xf32>
    %exp3A = math.exp %min3A_27 : vector<2560x128xf32>
    %sub3A = arith.constant 1.000000e+00 : f32
    %sub3A_28 = vector.broadcast %sub3A : f32 to vector<2560x128xf32>
    %sub3A_29 = arith.subf %exp3A, %sub3A_28 : vector<2560x128xf32>
    %select_n3A = arith.select %gt3A_25, %add3A_23, %sub3A_29 : vector<2560x128xi1>, vector<2560x128xf32>
    %mul3A_30 = vector.broadcast %squeeze3A : vector<2560x1xf32> to vector<2560x128xf32>
    %mul3A_31 = arith.mulf %select_n3A, %mul3A_30 : vector<2560x128xf32>
    %get3A_32 = arith.constant 0 : index
    %get3A_33 = arith.constant 0 : index
    %get3A_34 = vector.load %arg4[%get3A_32, %get3A_33] : memref<128x128xf32, #tpu.memory_space<vmem>>, vector<128x128xf32>
    %dot_general3A = arith.constant dense<0.000000e+00> : vector<2560x128xf32>
    %dot_general3A_35 = tpu.matmul %mul3A_31, %get3A_34, %dot_general3A {dimension_numbers = #tpu.dot_dimension_numbers<[1], [0], [0], [1], [0, 0, 1, 1], [], []>, transpose_lhs_hint = false} : vector<2560x128xf32>, vector<128x128xf32>, vector<2560x128xf32> -> vector<2560x128xf32>
    %swap3A = arith.constant 0 : index
    %swap3A_36 = arith.constant 0 : index
    %swap3A_37 = vector.load %arg5[%swap3A, %swap3A_36] : memref<2560x128xf32, #tpu.memory_space<vmem>>, vector<2560x128xf32>
    tpu.vector_store %arg5[%swap3A, %swap3A_36], %dot_general3A_35 {strides = array<i32>} : memref<2560x128xf32, #tpu.memory_space<vmem>>, vector<2560x128xf32>,
    return
  }
  func.func @transform_0(%arg0: i32) -> (i32, i32, i32) {
    %c0_i32 = arith.constant 0 : i32
    %c0_i32_0 = arith.constant 0 : i32
    %c0_i32_1 = arith.constant 0 : i32
    return %c0_i32, %arg0, %c0_i32_0 : i32, i32, i32
  }
  func.func @transform_1(%arg0: i32) -> (i32, i32, i32) {
    %c0_i32 = arith.constant 0 : i32
    %c0_i32_0 = arith.constant 0 : i32
    %c0_i32_1 = arith.constant 0 : i32
    return %c0_i32, %arg0, %c0_i32_0 : i32, i32, i32
  }
  func.func @transform_2(%arg0: i32) -> (i32, i32) {
    %c0_i32 = arith.constant 0 : i32
    %c0_i32_0 = arith.constant 0 : i32
    %c0_i32_1 = arith.constant 0 : i32
    return %c0_i32, %c0_i32_0 : i32, i32
  }
  func.func @transform_3(%arg0: i32) -> (i32, i32) {
    %c0_i32 = arith.constant 0 : i32
    %c0_i32_0 = arith.constant 0 : i32
    %c0_i32_1 = arith.constant 0 : i32
    return %c0_i32, %c0_i32_0 : i32, i32
  }
  func.func @transform_4(%arg0: i32) -> (i32, i32) {
    %c0_i32 = arith.constant 0 : i32
    %c0_i32_0 = arith.constant 0 : i32
    return %arg0, %c0_i32 : i32, i32
  }
}

module attributes {stable_mosaic.version = 14 : i64} {
  func.func @_tc_out_body(%arg0: i32, %arg1: memref<2x2560x128xf32, #tpu.memory_space<vmem>>, %arg2: memref<2x2560x8xf32, #tpu.memory_space<vmem>>, %arg3: memref<1x128xf32, #tpu.memory_space<vmem>>, %arg4: memref<2560x128xf32, #tpu.memory_space<vmem>>) attributes {dimension_semantics = [#tpu.dimension_semantics<arbitrary>], iteration_bounds = array<i64: 4>, scalar_prefetch = 0 : i64, scratch_operands = 0 : i64, tpu.core_type = #tpu.core_type<tc>, window_params = [{transform_indices = @transform_0, window_bounds = array<i64: 2, 2560, 128>}, {transform_indices = @transform_1, window_bounds = array<i64: 2, 2560, 8>}, {pipeline_mode = #tpu.pipeline_mode<synchronous>, transform_indices = @transform_2, window_bounds = array<i64: 1, 128>}, {transform_indices = @transform_3, window_bounds = array<i64: 2560, 128>}]} {
    %get3A = arith.constant 0 : index
    %get3A_0 = arith.constant 0 : index
    %get3A_1 = arith.constant 0 : index
    %get3A_2 = vector.load %arg2[%get3A, %get3A_0, %get3A_1] : memref<2x2560x8xf32, #tpu.memory_space<vmem>>, vector<2x2560x8xf32>
    %slice3A = vector.extract_strided_slice %get3A_2 {offsets = [0, 0, 0], sizes = [2, 2560, 1], strides = [1, 1, 1]} : vector<2x2560x8xf32> to vector<2x2560x1xf32>
    %max3A = arith.constant 1.000000e+00 : f32
    %max3A_3 = vector.broadcast %max3A : f32 to vector<2x2560x1xf32>
    %max3A_4 = arith.maximumf %slice3A, %max3A_3 : vector<2x2560x1xf32>
    %rsqrt3A = math.rsqrt %max3A_4 : vector<2x2560x1xf32>
    %slice3A_5 = vector.extract_strided_slice %rsqrt3A {offsets = [1, 0, 0], sizes = [1, 2560, 1], strides = [1, 1, 1]} : vector<2x2560x1xf32> to vector<1x2560x1xf32>
    %squeeze3A = vector.shape_cast %slice3A_5 : vector<1x2560x1xf32> to vector<2560x1xf32>
    %get3A_6 = arith.constant 0 : index
    %get3A_7 = arith.constant 0 : index
    %get3A_8 = arith.constant 0 : index
    %get3A_9 = vector.load %arg1[%get3A_6, %get3A_7, %get3A_8] : memref<2x2560x128xf32, #tpu.memory_space<vmem>>, vector<1x2560x128xf32>
    %get3A_10 = vector.shape_cast %get3A_9 : vector<1x2560x128xf32> to vector<2560x128xf32>
    %get3A_11 = arith.constant 1 : index
    %get3A_12 = arith.constant 0 : index
    %get3A_13 = arith.constant 0 : index
    %get3A_14 = vector.load %arg1[%get3A_11, %get3A_12, %get3A_13] : memref<2x2560x128xf32, #tpu.memory_space<vmem>>, vector<1x2560x128xf32>
    %get3A_15 = vector.shape_cast %get3A_14 : vector<1x2560x128xf32> to vector<2560x128xf32>
    %add3A = arith.addf %get3A_10, %get3A_15 : vector<2560x128xf32>
    %mul3A = vector.broadcast %squeeze3A : vector<2560x1xf32> to vector<2560x128xf32>
    %mul3A_16 = arith.mulf %add3A, %mul3A : vector<2560x128xf32>
    %get3A_17 = arith.constant 0 : index
    %get3A_18 = arith.constant 0 : index
    %get3A_19 = vector.load %arg3[%get3A_17, %get3A_18] : memref<1x128xf32, #tpu.memory_space<vmem>>, vector<1x128xf32>
    %add3A_20 = vector.broadcast %get3A_19 : vector<1x128xf32> to vector<2560x128xf32>
    %add3A_21 = arith.addf %mul3A_16, %add3A_20 : vector<2560x128xf32>
    %swap3A = arith.constant 0 : index
    %swap3A_22 = arith.constant 0 : index
    %swap3A_23 = vector.load %arg4[%swap3A, %swap3A_22] : memref<2560x128xf32, #tpu.memory_space<vmem>>, vector<2560x128xf32>
    tpu.vector_store %arg4[%swap3A, %swap3A_22], %add3A_21 {strides = array<i32>} : memref<2560x128xf32, #tpu.memory_space<vmem>>, vector<2560x128xf32>,
    return
  }
  func.func @transform_0(%arg0: i32) -> (i32, i32, i32) {
    %c0_i32 = arith.constant 0 : i32
    %c0_i32_0 = arith.constant 0 : i32
    %c0_i32_1 = arith.constant 0 : i32
    return %c0_i32, %arg0, %c0_i32_0 : i32, i32, i32
  }
  func.func @transform_1(%arg0: i32) -> (i32, i32, i32) {
    %c0_i32 = arith.constant 0 : i32
    %c0_i32_0 = arith.constant 0 : i32
    %c0_i32_1 = arith.constant 0 : i32
    return %c0_i32, %arg0, %c0_i32_0 : i32, i32, i32
  }
  func.func @transform_2(%arg0: i32) -> (i32, i32) {
    %c0_i32 = arith.constant 0 : i32
    %c0_i32_0 = arith.constant 0 : i32
    %c0_i32_1 = arith.constant 0 : i32
    return %c0_i32, %c0_i32_0 : i32, i32
  }
  func.func @transform_3(%arg0: i32) -> (i32, i32) {
    %c0_i32 = arith.constant 0 : i32
    %c0_i32_0 = arith.constant 0 : i32
    return %arg0, %c0_i32 : i32, i32
  }
}

</mosaic_0001>

<sc_bundles>
// kernel: kernel.11.cloned.1.call-start
scs
__scs_entry_jumppad:
0x0: {  	(pc) =	sbr.rel $0x88, $3  }
0x1: {  	(tag) =	ssettag $0x0;
	lr =	simm.s32 $0x1  }
0x2: {  	[smem:$0x3F9B] =	sst lr;
	_ =	strace $0xD0000000  }
0x3: {  	_ = 	snop  }
0x4: {  	_ = 	snop  }
0x5: {  	_ = 	snop  }
0x6: {  	_ = 	snop  }
0x7: {  	_ = 	snop  }
__scs_overlays_trampoline_lowered:
0x8: {  	[smem:$0x3FAA] =	sst s0  }
0x9: {  	[smem:$0x3FAB] =	sst s1  }
0xa: {  	[smem:$0x3FAC] =	sst s2  }
0xb: {  	[smem:$0x3FAD] =	sst s3  }
0xc: {  	[smem:$0x3FAE] =	sst s4  }
0xd: {  	[smem:$0x3FAF] =	sst s5  }
0xe: {  	[smem:$0x3FB0] =	sst s6  }
0xf: {  	[smem:$0x3FB1] =	sst s7  }
0x10: {  	[smem:$0x3FB2] =	sst s8  }
0x11: {  	[smem:$0x3FB3] =	sst s9;
	s0 =	simm.s32 @!p0 $0x0  }
0x12: {  	s1 =	sld [smem:$0x3F99];
	s0 =	simm.s32 @p0 $0x1  }
0x13: {  	[smem:$0x3FB4] =	sst s0;
	s0 =	simm.s32 @!p1 $0x0  }
0x14: {  	s2 =	sld [smem:$0x3F98];
	s0 =	simm.s32 @p1 $0x1  }
0x15: {  	[smem:$0x3FB5] =	sst s0;
	s0 =	simm.s32 @!p2 $0x0  }
0x16: {  	s3 =	sld [smem:$0x3FDB];
	s0 =	simm.s32 @p2 $0x1  }
0x17: {  	s4 =	simm.s32 $0x1BF5;
	[smem:$0x3FB7] =	sst s0  }
0x18: {  	s0 =	sld [smem:$0x3F9A];
	_ =	swait.ge [sflag:s4], $0x0  }
0x19: {  	s7 =	sld [smem:$0x3F9B]  }
0x1a: {  	s8 =	sadd.s32 $0xFFFFE003, lr  }
0x1b: {  	s9 =	sadd.s32 $0xFFFFFEF7, lr;
	s5 =	simm.s32 $0xFFFFFFFF;
	p2 =	slt.u32 s8, $0xFFFFF086  }
0x1c: {  	p1 =	slt.u32 s9, $0xF7A;
	s5 =	simm.s32 @!p2 $0x0  }
0x1d: {  	s5 =	simm.s32 @p1 $0x1;
	p0 =	seq.s32 s7, s2  }
0x1e: {  	s7 =	smul.u32 @!p0 $0xF7A, s2;
	p2 =	seq.s32 @!p0 s5, $0x0  }
0x1f: {  	s9 =	smul.u32 $0xF7A, s1;
	s8 =	simm.s32 @!p0 $0x1BF5;
	p2 =	por !p2, p0  }
0x20: {  	[sflag:s8] =	ssyncset.s32 @!p0 $0xFFFFF086;
	s6 =	sadd.s32 @!p0 s3, s7;
	s7 =	simm.s32 @!p0 $0x108  }
0x21: {  	s3 =	sadd.s32 s3, s9;
	s6 =	sadd.s32 @!p0 $0x88, s6;
	s7 =	simm.s32 @p2 $0x1082  }
0x22: {  	[simem:s7], [sflag:s8] =	dma.local @!p0 [hbm:s6], $0xF7A  }
0x23: {  	s9 =	sor.u32 $0xD0000000, s2;
	s6 =	simm.s32 $0x108;
	_ =	swait.ge @!p0 [sflag:s8], $0x0  }
0x24: {  	s3 =	sadd.s32 $0x88, s3;
	s6 =	simm.s32 @!p1 $0x1082;
	[sflag:s4] =	ssyncset.s32 $0xFFFFF086  }
0x25: {  	[simem:s6], [sflag:s4] =	dma.local [hbm:s3], $0xF7A  }
0x26: {  	[smem:$0x3F9B] =	sst s1;
	(tag) =	ssettag s2;
	_ =	strace s9  }
0x27: {  	s1 =	sld [smem:$0x3FAB]  }
0x28: {  	s2 =	sld [smem:$0x3FAC]  }
0x29: {  	s4 =	sld [smem:$0x3FAE]  }
0x2a: {  	p0 =	seq.s32 s5, $0x0;
	s5 =	sld [smem:$0x3FAF]  }
0x2b: {  	s6 =	sld [smem:$0x3FB0]  }
0x2c: {  	s7 =	sld [smem:$0x3FB1]  }
0x2d: {  	s3 =	simm.s32 $0x108;
	s8 =	sld [smem:$0x3FB2]  }
0x2e: {  	s3 =	simm.s32 @!p0 $0x1082;
	s9 =	sld [smem:$0x3FB3]  }
0x2f: {  	lr =	sadd.s32 s0, s3;
	s0 =	sld [smem:$0x3FAA]  }
0x30: {  	s3 =	sld [smem:$0x3FAD]  }
0x31: {  	[smem:$0x3FB6] =	sst s10  }
0x32: {  	s10 =	sld [smem:$0x3FB4];
	_ =	sdelay $0x3  }
0x33: {  	p0 =	seq.s32 s10, $0x1;
	s10 =	sld [smem:$0x3FB6];
	_ =	sdelay $0x3  }
0x34: {  	[smem:$0x3FB6] =	sst s10  }
0x35: {  	s10 =	sld [smem:$0x3FB5];
	_ =	sdelay $0x3  }
0x36: {  	p1 =	seq.s32 s10, $0x1;
	s10 =	sld [smem:$0x3FB6];
	_ =	sdelay $0x3  }
0x37: {  	[smem:$0x3FB6] =	sst s10  }
0x38: {  	s10 =	sld [smem:$0x3FB7]  }
0x39: {  	_ = 	snop;
	(pc) =	sbr.ind lr, $3  }
0x3a: {  	_ = 	snop  }
0x3b: {  	_ = 	snop  }
0x3c: {  	p2 =	seq.s32 s10, $0x1;
	s10 =	sld [smem:$0x3FB6]  }
0x3d: {  	_ =	shalt  }
0x3e: {  	_ =	shalt  }
0x3f: {  	_ =	shalt  }
0x40: {  	_ =	shalt  }
0x41: {  	_ =	shalt  }
0x42: {  	_ =	shalt  }
0x43: {  	_ =	shalt  }
0x44: {  	_ =	shalt  }
0x45: {  	_ =	shalt  }
0x46: {  	_ =	shalt  }
0x47: {  	_ =	shalt  }
0x48: {  	_ =	shalt  }
0x49: {  	_ =	shalt  }
0x4a: {  	_ =	shalt  }
0x4b: {  	_ =	shalt  }
0x4c: {  	_ =	shalt  }
0x4d: {  	_ =	shalt  }
0x4e: {  	_ =	shalt  }
0x4f: {  	_ =	shalt  }
0x50: {  	_ =	shalt  }
0x51: {  	_ =	shalt  }
0x52: {  	_ =	shalt  }
0x53: {  	_ =	shalt  }
0x54: {  	_ =	shalt  }
0x55: {  	_ =	shalt  }
0x56: {  	_ =	shalt  }
0x57: {  	_ =	shalt  }
0x58: {  	_ =	shalt  }
0x59: {  	_ =	shalt  }
0x5a: {  	_ =	shalt  }
0x5b: {  	_ =	shalt  }
0x5c: {  	_ =	shalt  }
0x5d: {  	_ =	shalt  }
0x5e: {  	_ =	shalt  }
0x5f: {  	_ =	shalt  }
0x60: {  	_ =	shalt  }
0x61: {  	_ =	shalt  }
0x62: {  	_ =	shalt  }
0x63: {  	_ =	shalt  }
0x64: {  	_ =	shalt  }
0x65: {  	_ =	shalt  }
0x66: {  	_ =	shalt  }
0x67: {  	_ =	shalt  }
0x68: {  	_ =	shalt  }
0x69: {  	_ =	shalt  }
0x6a: {  	_ =	shalt  }
0x6b: {  	_ =	shalt  }
0x6c: {  	_ =	shalt  }
0x6d: {  	_ =	shalt  }
0x6e: {  	_ =	shalt  }
0x6f: {  	_ =	shalt  }
0x70: {  	_ =	shalt  }
0x71: {  	_ =	shalt  }
0x72: {  	_ =	shalt  }
0x73: {  	_ =	shalt  }
0x74: {  	_ =	shalt  }
0x75: {  	_ =	shalt  }
0x76: {  	_ =	shalt  }
0x77: {  	_ =	shalt  }
0x78: {  	_ =	shalt  }
0x79: {  	_ =	shalt  }
0x7a: {  	_ =	shalt  }
0x7b: {  	_ =	shalt  }
0x7c: {  	_ =	shalt  }
0x7d: {  	_ =	shalt  }
0x7e: {  	_ =	shalt  }
0x7f: {  	_ =	shalt  }
0x80: {  	_ =	shalt  }
0x81: {  	_ =	shalt  }
0x82: {  	_ =	shalt  }
0x83: {  	_ =	shalt  }
0x84: {  	_ =	shalt  }
0x85: {  	_ =	shalt  }
0x86: {  	_ =	shalt  }
0x87: {  	_ =	shalt  }
.Lfunc_end0:
.L_simem_size_0:
called_computation.1_lowered:
.L_overlay_start_0:
0x88: {  	s2 =	sld [smem:$0x3FD9]  }
0x89: {  	s3 =	sld [smem:$0x3FFE];
	_ =	sdelay $0x1  }
0x8a: {  	s1 =	srdreg.scid  }
0x8b: {  	s0 =	sand.u32 $0x1, s1  }
0x8c: {  	s17 =	sshll.u32 s0, $0xA;
	s2 =	sadd.s32 s3, s2  }
0x8d: {  	s2 =	sadd.s32 s2, s17  }
0x8e: {  	[smem:$0x3FC2] =	sst s2  }
0x8f: {  	_ = 	snop  }
0x90: {  	s2 =	sld [smem:$0x3FD0];
	(tm) =	ssettm $0x1  }
0x91: {  	s18 =	sld [smem:$0x3FFB];
	_ =	sdelay $0x3  }
0x92: {  	_ =	strace s18  }
0x93: {  	s3 =	sld [smem:$0x3FFC];
	_ =	sdelay $0x3  }
0x94: {  	_ =	strace s3  }
0x95: {  	s3 =	sld [smem:$0x3FFD];
	_ =	sdelay $0x3  }
0x96: {  	_ =	strace s3  }
0x97: {  	_ =	strace $0x8FFFFFFF  }
0x98: {  	s19 =	sld [smem:$0x3FDB];
	_ =	sdelay $0x1  }
0x99: {  	s4 =	simm.s32 $_scs_section_size  }
0x9a: {  	s5 =	simm.s32 $_size__tile_overlayer_lowered;
	s6 =	simm.s32 $_tile_overlayer_lowered  }
0x9b: {  	s22 =	simm.s32 $0x1BFF;
	s21 =	sshll.u32 s6, $0x1;
	s3 =	sadd.s32 s4, s19  }
0x9c: {  	s7 =	simm.s32 $0x0;
	s20 =	sshll.u32 s5, $0x1;
	s5 =	sadd.s32 s21, s3  }
0x9d: {  	[timem:s7], [sflag:s22] =	dma.local [hbm:s5], s20  }
0x9e: {  	_ =	swait.ge [sflag:s22], s20  }
0x9f: {  	s4 =	ssub.s32 $0x0, s20;
	[sflag:s22] =	ssyncset.done $0x0  }
0xa0: {  	[sflag:s22] =	ssyncadd.s32 s4;
	_ =	sdelay $0x1  }
0xa1: {  	s23 =	simm.s32 $0x1B8B  }
0xa2: {  	_ =	swait.ge [sflag:s23], $0x1  }
0xa3: {  	[sflag:s23] =	ssyncset.done $0x0  }
0xa4: {  	s25 =	simm.s32 $0x1B8E;
	s24 =	sld [smem:$0x3FFE];
	[sflag:s23] =	ssyncadd.s32 $0xFFFFFFFF  }
0xa5: {  	s26 =	simm.s32 $execute0_lowered;
	[smem:$0x3FD2] =	sst s25  }
0xa6: {  	s5 =	sshll.u32 s26, $0x1;
	_ =	strace $0x80000049;
	[dreg:$0x1] =	wrdreg $0xFFFFFFFF  }
0xa7: {  	s28 =	simm.s32 $_size_execute0_lowered;
	s3 =	sadd.s32 s3, s5;
	[dreg:$0x0] =	wrdreg $0x0  }
0xa8: {  	s5 =	sshll.u32 s28, $0x1;
	[dreg:$0x2] =	wrdreg s3  }
0xa9: {  	[dreg:$0x3] =	wrdreg s5  }
0xaa: {  	[dreg:$0x4] =	wrdreg $0xC0  }
0xab: {  	_ =	task [dreg:s7], $0x5FFFF  }
0xac: {  	[dreg:$0x1] =	wrdreg $0xFFFFFFFF  }
0xad: {  	[dreg:$0x0] =	wrdreg $0x60  }
0xae: {  	[dreg:$0x2] =	wrdreg s24  }
0xaf: {  	[dreg:$0x3] =	wrdreg s2  }
0xb0: {  	[dreg:$0x4] =	wrdreg $0xBE200  }
0xb1: {  	[dreg:$0x5] =	wrdreg $0x9  }
0xb2: {  	_ =	task.clear_ibuf [dreg:s7], $0x6FFFF;
	_ =	strace $0x90000049  }
0xb3: {  	s29 =	simm.s32 $0x9;
	_ =	strace $0x8000004B  }
0xb4: {  	_ =	swait.ge [sflag:s29], $0x1  }
0xb5: {  	[sflag:s29] =	ssyncadd.s32 $0xFFFFFFFF  }
0xb6: {  	_ =	strace $0x9000004B  }
0xb7: {  	_ =	sfence  }
0xb8: {  	s30 =	sld [smem:$0x0];
	_ =	sdelay $0x2  }
0xb9: {  	s31 =	sshll.u32 s1, $0xD;
	s1 =	sshrl.u32 s1, $0x2  }
0xba: {  	s3 =	sand.u32 $0x4000, s31;
	s1 =	sadd.s32 s1, s30  }
0xbb: {  	s0 =	sor.u32 s3, s0;
	s1 =	sshll.u32 s1, $0x11  }
0xbc: {  	s0 =	sor.u32 s1, s0  }
0xbd: {  	s0 =	sadd.s32 $0x8F2B, s0  }
0xbe: {  	[sflag:s0] =	ssyncadd.remote.s32 $0x1  }
0xbf: {  	_ =	sfence.sel $0xFFFF  }
0xc0: {  	[dreg:$0x0] =	wrdreg $0xFFFFFFFF;
	(pc) =	sbr.abs _section_cstart, $3  }
0xc1: {  	[dreg:$0x1] =	wrdreg $0xFFFFFFFF  }
0xc2: {  	_ =	task.clear_ibuf [dreg:s7], $0x2FFFF;
	_ =	strace $0x9FFFFFFF  }
0xc3: {  	(tm) =	ssettm $0x7FFFFFFF  }
tec
execute0_lowered:
.L_overlay_start_1:
0x0: {  	(tag) =	ssettag $0x1  }
0x1: {  	s5 =	rddreg [dreg:$0x0]  }
0x2: {  	s7 =	rddreg [dreg:$0x1]  }
0x3: {  	s2 =	rddreg [dreg:$0x2]  }
0x4: {  	s0 =	rddreg [dreg:$0x3];
	s3 =	simm.s32 $0x0;
	s4 =	srdreg.scid  }
0x5: {  	s1 =	stileid.u32;
	s14 =	simm.s32 $0x70;
	s15 =	simm.s32 $0x4E20  }
0x6: {  	s16 =	simm.s32 $0x8620;
	s17 =	simm.s32 $0x1;
	s18 =	simm.s32 $0x2  }
0x7: {  	s19 =	simm.s32 $0x20;
	s20 =	simm.s32 $0x26F0;
	s21 =	simm.s32 $0x4D90  }
0x8: {  	s22 =	simm.s32 $0x4E00;
	s23 =	simm.s32 $0x0;
	s6 =	sand.u32 $0x1, s4  }
0x9: {  	s31 =	sshll.u32 s1, $0x1;
	s8 =	smul.u32 $0x13880, s1;
	[smem:$0x7FF] =	sst s3  }
0xa: {  	s12 =	sshll.u32 s1, $0x6;
	s4 =	sor.u32 s6, s31;
	s9 =	smul.u32 $0x138800, s6  }
0xb: {  	_ =	strace $0x8000004A;
	s6 =	ssub.s32 $0x2, s6;
	s12 =	sor.u32 $0x1C03, s12  }
0xc: {  	s10 =	smul.u32 $0x4E2, s4;
	s4 =	sadd.s32 $0x66600, s5;
	s11 =	sshrl.u32 s6, $0x1  }
0xd: {  	s13 =	sadd.s32 s8, s2;
	s9 =	sadd.s32 s8, s9;
	s11 =	ssub.s32 s6, s11  }
0xe: {  	s8 =	sshrl.u32 s8, $0x3;
	s13 =	sshrl.u32 s13, $0x3;
	s9 =	sshrl.u32 s9, $0x3  }
0xf: {  	s10 =	sadd.s32 s10, s5;
	s7 =	sadd.s32 s7, s8;
	s9 =	sadd.s32 s9, s5  }
0x10: {  	s5 =	sadd.s32 $0xC800, s10;
	s6 =	sadd.s32 $0x2A00, s10;
	s10 =	simm.s32 $0x3  }
0x11: {  	s8 =	sadd.s32 $0x8E600, s9;
	s9 =	smax.u32 s11, $0x1;
	s11 =	simm.s32 $0x2710  }
.LBB2_1:
0x12: {  	[tilespmem:s3], [sflag:$0x3] =	stream.linear.gather [hbm4b:s5+s3], $0x2710, $0x38;
	[tilespmem:$0x1F6A0] =	vst v63  }
0x13: {  	_ =	swait.ge [sflag:s10], $0x2710  }
0x14: {  	[sflag:s10] =	ssyncset.done $0x0  }
0x15: {  	[sflag:s10] =	ssyncadd.s32 $0xFFFFD8F0  }
0x16: {  	[tilespmem:s11], [sflag:$0x3] =	stream.linear.gather [hbm4b:s6+s3], $0x2710, $0x38;
	[tilespmem:$0x1F6A0] =	vst v63  }
0x17: {  	_ =	swait.ge [sflag:s10], $0x2710  }
0x18: {  	[sflag:s10] =	ssyncset.done $0x0  }
0x19: {  	[sflag:s10] =	ssyncadd.s32 $0xFFFFD8F0  }
0x1a: {  	[spmem:s13], [sflag:s12] =	dma.local [hbm:s7], $0x2710  }
0x1b: {  	_ =	swait.ge [sflag:s10], $0x2710  }
0x1c: {  	[sflag:s10] =	ssyncset.done $0x0  }
0x1d: {  	[sflag:s10] =	ssyncadd.s32 $0xFFFFD8F0  }
0x1e: {  	[bflag:$0x0] =	sbarrier.arrive $0xFFFF  }
0x1f: {  	[tilespmem:s15], [sflag:$0x1] =	stream.indirect.gather [hbm4b:s4+s14], $0x80, s3, s14, $0xb8;
	[tilespmem:$0x1F6A0] =	vst v63  }
0x20: {  	s24 =	simm.s32 $0x70  }
0x21: {  	[tilespmem:s16], [sflag:$0x2] =	stream.indirect.gather [hbm4b:s4+s14], $0x80, s24, s14, $0xb8;
	[tilespmem:$0x1F6A0] =	vst v63  }
0x22: {  	_ =	swait.ge [sflag:s17], $0x3800  }
0x23: {  	[sflag:s17] =	ssyncset.done $0x0  }
0x24: {  	s29 =	simm.s32 $0x2710;
	[sflag:s17] =	ssyncadd.s32 $0xFFFFC800  }
0x25: {  	[spmem:s2] =	stream.indirect.scatter.add.f32 [tilespmem:s15], [sflag:$0x3], $0x80, s29, s14, $0xb8;
	[tilespmem:$0x1F6A0] =	vst v63  }
0x26: {  	_ =	swait.ge [sflag:s10], $0x3800  }
0x27: {  	[sflag:s10] =	ssyncset.done $0x0  }
0x28: {  	s30 =	simm.s32 $0xE0;
	[sflag:s10] =	ssyncadd.s32 $0xFFFFC800  }
0x29: {  	[tilespmem:s15], [sflag:$0x1] =	stream.indirect.gather [hbm4b:s4+s14], $0x80, s30, s14, $0xb8;
	[tilespmem:$0x1F6A0] =	vst v63  }
0x2a: {  	_ =	swait.ge [sflag:s18], $0x3800  }
0x2b: {  	[sflag:s18] =	ssyncset.done $0x0  }
0x2c: {  	s31 =	simm.s32 $0x2780;
	[sflag:s18] =	ssyncadd.s32 $0xFFFFC800  }
0x2d: {  	[spmem:s2] =	stream.indirect.scatter.add.f32 [tilespmem:s16], [sflag:$0x3], $0x80, s31, s14, $0xb8;
	[tilespmem:$0x1F6A0] =	vst v63  }
0x2e: {  	_ =	swait.ge [sflag:s10], $0x3800  }
0x2f: {  	s25 =	simm.s32 $0x700;
	s24 =	simm.s32 $0xE0;
	[sflag:s10] =	ssyncset.done $0x0  }
.LBB2_2:
0x30: {  	s26 =	sadd.s32 $0x70, s24  }
0x31: {  	[sflag:s10] =	ssyncadd.s32 $0xFFFFC800;
	s28 =	smov.u32 s25;
	s29 =	sadd.s32 $0x380, s25  }
0x32: {  	[tilespmem:s16], [sflag:$0x2] =	stream.indirect.gather [hbm4b:s4+s14], $0x80, s26, s14, $0xb8;
	[tilespmem:$0x1F6A0] =	vst v63  }
0x33: {  	p0 =	sne.s32 s25, $0x9680;
	_ =	swait.ge [sflag:s17], $0x3800  }
0x34: {  	[sflag:s17] =	ssyncset.done $0x0  }
0x35: {  	s25 =	sadd.s32 $0x2710, s24;
	[sflag:s17] =	ssyncadd.s32 $0xFFFFC800  }
0x36: {  	[spmem:s2] =	stream.indirect.scatter.add.f32 [tilespmem:s15], [sflag:$0x3], $0x80, s25, s14, $0xb8;
	[tilespmem:$0x1F6A0] =	vst v63  }
0x37: {  	_ =	swait.ge [sflag:s10], $0x3800  }
0x38: {  	[sflag:s10] =	ssyncset.done $0x0  }
0x39: {  	s25 =	sadd.s32 $0xE0, s24;
	[sflag:s10] =	ssyncadd.s32 $0xFFFFC800  }
0x3a: {  	[tilespmem:s15], [sflag:$0x1] =	stream.indirect.gather [hbm4b:s4+s14], $0x80, s25, s14, $0xb8;
	[tilespmem:$0x1F6A0] =	vst v63  }
0x3b: {  	_ =	swait.ge [sflag:s18], $0x3800  }
.Ltmp0:
0x3c: {  	[sflag:s18] =	ssyncset.done $0x0;
	(pc) =	sbr.rel @p0 .LBB2_2-.Ltmp0, $4  }
0x3d: {  	s24 =	sadd.s32 $0x2780, s24;
	[sflag:s18] =	ssyncadd.s32 $0xFFFFC800  }
0x3e: {  	[spmem:s2] =	stream.indirect.scatter.add.f32 [tilespmem:s16], [sflag:$0x3], $0x80, s24, s14, $0xb8;
	[tilespmem:$0x1F6A0] =	vst v63  }
0x3f: {  	_ =	swait.ge [sflag:s10], $0x3800  }
0x40: {  	s25 =	smov.u32 s29;
	s24 =	sshra.s32 s28, $0x2;
	[sflag:s10] =	ssyncset.done $0x0  }
0x41: {  	s25 =	sadd.s32 $0x70, s24;
	[sflag:s10] =	ssyncadd.s32 $0xFFFFC800  }
0x42: {  	[tilespmem:s16], [sflag:$0x2] =	stream.indirect.gather [hbm4b:s4+s14], $0x80, s25, s14, $0xb8;
	[tilespmem:$0x1F6A0] =	vst v63  }
0x43: {  	_ =	swait.ge [sflag:s17], $0x3800  }
0x44: {  	[sflag:s17] =	ssyncset.done $0x0  }
0x45: {  	s29 =	sadd.s32 $0x2710, s24;
	[sflag:s17] =	ssyncadd.s32 $0xFFFFC800  }
0x46: {  	[spmem:s2] =	stream.indirect.scatter.add.f32 [tilespmem:s15], [sflag:$0x3], $0x80, s29, s14, $0xb8;
	[tilespmem:$0x1F6A0] =	vst v63  }
0x47: {  	_ =	swait.ge [sflag:s10], $0x3800  }
0x48: {  	[sflag:s10] =	ssyncset.done $0x0  }
0x49: {  	s30 =	sadd.s32 $0xE0, s24;
	[sflag:s10] =	ssyncadd.s32 $0xFFFFC800  }
0x4a: {  	[tilespmem:s15], [sflag:$0x1] =	stream.indirect.gather [hbm4b:s4+s14], $0x80, s30, s14, $0xb8;
	[tilespmem:$0x1F6A0] =	vst v63  }
0x4b: {  	_ =	swait.ge [sflag:s18], $0x3800  }
0x4c: {  	[sflag:s18] =	ssyncset.done $0x0  }
0x4d: {  	s31 =	sadd.s32 $0x2780, s24;
	[sflag:s18] =	ssyncadd.s32 $0xFFFFC800  }
0x4e: {  	[spmem:s2] =	stream.indirect.scatter.add.f32 [tilespmem:s16], [sflag:$0x3], $0x80, s31, s14, $0xb8;
	[tilespmem:$0x1F6A0] =	vst v63  }
0x4f: {  	_ =	swait.ge [sflag:s10], $0x3800  }
0x50: {  	[sflag:s10] =	ssyncset.done $0x0  }
0x51: {  	[sflag:s10] =	ssyncadd.s32 $0xFFFFC800  }
0x52: {  	[tilespmem:s16], [sflag:$0x2] =	stream.indirect.gather [hbm4b:s4+s19], $0x80, s20, s19, $0xb8;
	[tilespmem:$0x1F6A0] =	vst v63  }
0x53: {  	_ =	swait.ge [sflag:s17], $0x3800  }
0x54: {  	[sflag:s17] =	ssyncset.done $0x0  }
0x55: {  	[sflag:s17] =	ssyncadd.s32 $0xFFFFC800  }
0x56: {  	[spmem:s2] =	stream.indirect.scatter.add.f32 [tilespmem:s15], [sflag:$0x3], $0x80, s21, s14, $0xb8;
	[tilespmem:$0x1F6A0] =	vst v63  }
0x57: {  	_ =	swait.ge [sflag:s10], $0x3800  }
0x58: {  	[sflag:s10] =	ssyncset.done $0x0  }
0x59: {  	[sflag:s10] =	ssyncadd.s32 $0xFFFFC800  }
0x5a: {  	_ =	swait.ge [sflag:s18], $0x1000  }
0x5b: {  	[sflag:s18] =	ssyncset.done $0x0  }
0x5c: {  	[sflag:s18] =	ssyncadd.s32 $0xFFFFF000  }
0x5d: {  	[spmem:s2] =	stream.indirect.scatter.add.f32 [tilespmem:s16], [sflag:$0x3], $0x80, s22, s19, $0xb8;
	[tilespmem:$0x1F6A0] =	vst v63  }
0x5e: {  	_ =	swait.ge [sflag:s10], $0x1000  }
0x5f: {  	s23 =	sadd.s32 $0x1, s23;
	[sflag:s10] =	ssyncset.done $0x0  }
0x60: {  	p0 =	sne.s32 s23, s9;
	[sflag:s10] =	ssyncadd.s32 $0xFFFFF000  }
.Ltmp1:
0x61: {  	[bflag:$0x0] =	sbarrier.arrive $0xFFFF;
	(pc) =	sbr.rel @p0 .LBB2_1-.Ltmp1, $4  }
0x62: {  	[hbm:s8], [sflag:s12] =	dma.local [spmem:s13], $0x2710  }
0x63: {  	_ =	swait.ge [sflag:s10], $0x2710  }
0x64: {  	[sflag:s10] =	ssyncset.done $0x0  }
0x65: {  	[sflag:s10] =	ssyncadd.s32 $0xFFFFD8F0  }
0x66: {  	_ =	sfence.sel $0x180000  }
0x67: {  	[bflag:$0x0] =	sbarrier.arrive $0xFFFF  }
0x68: {  	p0 =	sne.s32 s1, $0x0;
	_ =	strace $0x9000004A  }
0x69: {  	s0 =	sadd.s32 @!p0 $0x100000, s0;
	[bflag:$0x2] =	sbarrier.arrive $0xFFFF  }
0x6a: {  	[sflag:s0] =	ssyncadd.tile.s32 @!p0 $0x1;
	_ =	shalt  }
.Lfunc_end2:
_tile_overlayer_lowered:
.L_overlay_start_2:
0x6b: {  	(tag) =	ssettag $0x2  }
0x6c: {  	s0 =	rddreg [dreg:$0x0];
	s2 =	stileid.u32  }
0x6d: {  	s1 =	rddreg [dreg:$0x1];
	p0 =	sne.s32 s2, $0x0  }
0x6e: {  	s3 =	rddreg [dreg:$0x2];
	[bflag:$0x3] =	sbarrier.arrive $0xFFFF;
	s2 =	simm.s32 @!p0 $0x1C03  }
0x6f: {  	[timem:s3], [sflag:s2] =	dma.local @!p0 [hbm:s0], s1  }
0x70: {  	s0 =	simm.s32 @!p0 $0x3  }
0x71: {  	_ =	swait.ge @!p0 [sflag:s0], s1  }
0x72: {  	s1 =	ssub.s32 @!p0 $0x0, s1;
	[sflag:s0] =	ssyncset.done @!p0 $0x0  }
0x73: {  	[sflag:s0] =	ssyncadd.s32 @!p0 s1  }
0x74: {  	[bflag:$0x3] =	sbarrier.arrive $0xFFFF  }
0x75: {  	_ =	shalt  }

// kernel: kernel.14.cloned.1.call-start
scs
__scs_entry_jumppad:
0x0: {  	(pc) =	sbr.rel $0x88, $3  }
0x1: {  	(tag) =	ssettag $0x0;
	lr =	simm.s32 $0x1  }
0x2: {  	[smem:$0x3F9B] =	sst lr;
	_ =	strace $0xD0000000  }
0x3: {  	_ = 	snop  }
0x4: {  	_ = 	snop  }
0x5: {  	_ = 	snop  }
0x6: {  	_ = 	snop  }
0x7: {  	_ = 	snop  }
__scs_overlays_trampoline_lowered:
0x8: {  	[smem:$0x3FAA] =	sst s0  }
0x9: {  	[smem:$0x3FAB] =	sst s1  }
0xa: {  	[smem:$0x3FAC] =	sst s2  }
0xb: {  	[smem:$0x3FAD] =	sst s3  }
0xc: {  	[smem:$0x3FAE] =	sst s4  }
0xd: {  	[smem:$0x3FAF] =	sst s5  }
0xe: {  	[smem:$0x3FB0] =	sst s6  }
0xf: {  	[smem:$0x3FB1] =	sst s7  }
0x10: {  	[smem:$0x3FB2] =	sst s8  }
0x11: {  	[smem:$0x3FB3] =	sst s9;
	s0 =	simm.s32 @!p0 $0x0  }
0x12: {  	s1 =	sld [smem:$0x3F99];
	s0 =	simm.s32 @p0 $0x1  }
0x13: {  	[smem:$0x3FB4] =	sst s0;
	s0 =	simm.s32 @!p1 $0x0  }
0x14: {  	s2 =	sld [smem:$0x3F98];
	s0 =	simm.s32 @p1 $0x1  }
0x15: {  	[smem:$0x3FB5] =	sst s0;
	s0 =	simm.s32 @!p2 $0x0  }
0x16: {  	s3 =	sld [smem:$0x3FDB];
	s0 =	simm.s32 @p2 $0x1  }
0x17: {  	s4 =	simm.s32 $0x1BF5;
	[smem:$0x3FB7] =	sst s0  }
0x18: {  	s0 =	sld [smem:$0x3F9A];
	_ =	swait.ge [sflag:s4], $0x0  }
0x19: {  	s7 =	sld [smem:$0x3F9B]  }
0x1a: {  	s8 =	sadd.s32 $0xFFFFE003, lr  }
0x1b: {  	s9 =	sadd.s32 $0xFFFFFEF7, lr;
	s5 =	simm.s32 $0xFFFFFFFF;
	p2 =	slt.u32 s8, $0xFFFFF086  }
0x1c: {  	p1 =	slt.u32 s9, $0xF7A;
	s5 =	simm.s32 @!p2 $0x0  }
0x1d: {  	s5 =	simm.s32 @p1 $0x1;
	p0 =	seq.s32 s7, s2  }
0x1e: {  	s7 =	smul.u32 @!p0 $0xF7A, s2;
	p2 =	seq.s32 @!p0 s5, $0x0  }
0x1f: {  	s9 =	smul.u32 $0xF7A, s1;
	s8 =	simm.s32 @!p0 $0x1BF5;
	p2 =	por !p2, p0  }
0x20: {  	[sflag:s8] =	ssyncset.s32 @!p0 $0xFFFFF086;
	s6 =	sadd.s32 @!p0 s3, s7;
	s7 =	simm.s32 @!p0 $0x108  }
0x21: {  	s3 =	sadd.s32 s3, s9;
	s6 =	sadd.s32 @!p0 $0x88, s6;
	s7 =	simm.s32 @p2 $0x1082  }
0x22: {  	[simem:s7], [sflag:s8] =	dma.local @!p0 [hbm:s6], $0xF7A  }
0x23: {  	s9 =	sor.u32 $0xD0000000, s2;
	s6 =	simm.s32 $0x108;
	_ =	swait.ge @!p0 [sflag:s8], $0x0  }
0x24: {  	s3 =	sadd.s32 $0x88, s3;
	s6 =	simm.s32 @!p1 $0x1082;
	[sflag:s4] =	ssyncset.s32 $0xFFFFF086  }
0x25: {  	[simem:s6], [sflag:s4] =	dma.local [hbm:s3], $0xF7A  }
0x26: {  	[smem:$0x3F9B] =	sst s1;
	(tag) =	ssettag s2;
	_ =	strace s9  }
0x27: {  	s1 =	sld [smem:$0x3FAB]  }
0x28: {  	s2 =	sld [smem:$0x3FAC]  }
0x29: {  	s4 =	sld [smem:$0x3FAE]  }
0x2a: {  	p0 =	seq.s32 s5, $0x0;
	s5 =	sld [smem:$0x3FAF]  }
0x2b: {  	s6 =	sld [smem:$0x3FB0]  }
0x2c: {  	s7 =	sld [smem:$0x3FB1]  }
0x2d: {  	s3 =	simm.s32 $0x108;
	s8 =	sld [smem:$0x3FB2]  }
0x2e: {  	s3 =	simm.s32 @!p0 $0x1082;
	s9 =	sld [smem:$0x3FB3]  }
0x2f: {  	lr =	sadd.s32 s0, s3;
	s0 =	sld [smem:$0x3FAA]  }
0x30: {  	s3 =	sld [smem:$0x3FAD]  }
0x31: {  	[smem:$0x3FB6] =	sst s10  }
0x32: {  	s10 =	sld [smem:$0x3FB4];
	_ =	sdelay $0x3  }
0x33: {  	p0 =	seq.s32 s10, $0x1;
	s10 =	sld [smem:$0x3FB6];
	_ =	sdelay $0x3  }
0x34: {  	[smem:$0x3FB6] =	sst s10  }
0x35: {  	s10 =	sld [smem:$0x3FB5];
	_ =	sdelay $0x3  }
0x36: {  	p1 =	seq.s32 s10, $0x1;
	s10 =	sld [smem:$0x3FB6];
	_ =	sdelay $0x3  }
0x37: {  	[smem:$0x3FB6] =	sst s10  }
0x38: {  	s10 =	sld [smem:$0x3FB7]  }
0x39: {  	_ = 	snop;
	(pc) =	sbr.ind lr, $3  }
0x3a: {  	_ = 	snop  }
0x3b: {  	_ = 	snop  }
0x3c: {  	p2 =	seq.s32 s10, $0x1;
	s10 =	sld [smem:$0x3FB6]  }
0x3d: {  	_ =	shalt  }
0x3e: {  	_ =	shalt  }
0x3f: {  	_ =	shalt  }
0x40: {  	_ =	shalt  }
0x41: {  	_ =	shalt  }
0x42: {  	_ =	shalt  }
0x43: {  	_ =	shalt  }
0x44: {  	_ =	shalt  }
0x45: {  	_ =	shalt  }
0x46: {  	_ =	shalt  }
0x47: {  	_ =	shalt  }
0x48: {  	_ =	shalt  }
0x49: {  	_ =	shalt  }
0x4a: {  	_ =	shalt  }
0x4b: {  	_ =	shalt  }
0x4c: {  	_ =	shalt  }
0x4d: {  	_ =	shalt  }
0x4e: {  	_ =	shalt  }
0x4f: {  	_ =	shalt  }
0x50: {  	_ =	shalt  }
0x51: {  	_ =	shalt  }
0x52: {  	_ =	shalt  }
0x53: {  	_ =	shalt  }
0x54: {  	_ =	shalt  }
0x55: {  	_ =	shalt  }
0x56: {  	_ =	shalt  }
0x57: {  	_ =	shalt  }
0x58: {  	_ =	shalt  }
0x59: {  	_ =	shalt  }
0x5a: {  	_ =	shalt  }
0x5b: {  	_ =	shalt  }
0x5c: {  	_ =	shalt  }
0x5d: {  	_ =	shalt  }
0x5e: {  	_ =	shalt  }
0x5f: {  	_ =	shalt  }
0x60: {  	_ =	shalt  }
0x61: {  	_ =	shalt  }
0x62: {  	_ =	shalt  }
0x63: {  	_ =	shalt  }
0x64: {  	_ =	shalt  }
0x65: {  	_ =	shalt  }
0x66: {  	_ =	shalt  }
0x67: {  	_ =	shalt  }
0x68: {  	_ =	shalt  }
0x69: {  	_ =	shalt  }
0x6a: {  	_ =	shalt  }
0x6b: {  	_ =	shalt  }
0x6c: {  	_ =	shalt  }
0x6d: {  	_ =	shalt  }
0x6e: {  	_ =	shalt  }
0x6f: {  	_ =	shalt  }
0x70: {  	_ =	shalt  }
0x71: {  	_ =	shalt  }
0x72: {  	_ =	shalt  }
0x73: {  	_ =	shalt  }
0x74: {  	_ =	shalt  }
0x75: {  	_ =	shalt  }
0x76: {  	_ =	shalt  }
0x77: {  	_ =	shalt  }
0x78: {  	_ =	shalt  }
0x79: {  	_ =	shalt  }
0x7a: {  	_ =	shalt  }
0x7b: {  	_ =	shalt  }
0x7c: {  	_ =	shalt  }
0x7d: {  	_ =	shalt  }
0x7e: {  	_ =	shalt  }
0x7f: {  	_ =	shalt  }
0x80: {  	_ =	shalt  }
0x81: {  	_ =	shalt  }
0x82: {  	_ =	shalt  }
0x83: {  	_ =	shalt  }
0x84: {  	_ =	shalt  }
0x85: {  	_ =	shalt  }
0x86: {  	_ =	shalt  }
0x87: {  	_ =	shalt  }
.Lfunc_end0:
.L_simem_size_0:
called_computation.2_lowered:
.L_overlay_start_0:
0x88: {  	s2 =	sld [smem:$0x3FD9]  }
0x89: {  	s3 =	sld [smem:$0x3FFE];
	_ =	sdelay $0x1  }
0x8a: {  	s1 =	srdreg.scid  }
0x8b: {  	s0 =	sand.u32 $0x1, s1  }
0x8c: {  	s17 =	sshll.u32 s0, $0xA;
	s2 =	sadd.s32 s3, s2  }
0x8d: {  	s2 =	sadd.s32 s2, s17  }
0x8e: {  	[smem:$0x3FC2] =	sst s2  }
0x8f: {  	_ = 	snop  }
0x90: {  	s2 =	sld [smem:$0x3FD0];
	(tm) =	ssettm $0x1  }
0x91: {  	s18 =	sld [smem:$0x3FFB];
	_ =	sdelay $0x3  }
0x92: {  	_ =	strace s18  }
0x93: {  	s3 =	sld [smem:$0x3FFC];
	_ =	sdelay $0x3  }
0x94: {  	_ =	strace s3  }
0x95: {  	s3 =	sld [smem:$0x3FFD];
	_ =	sdelay $0x3  }
0x96: {  	_ =	strace s3  }
0x97: {  	_ =	strace $0x8FFFFFFF  }
0x98: {  	s19 =	sld [smem:$0x3FDB];
	_ =	sdelay $0x1  }
0x99: {  	s4 =	simm.s32 $_scs_section_size  }
0x9a: {  	s5 =	simm.s32 $_size__tile_overlayer_lowered;
	s6 =	simm.s32 $_tile_overlayer_lowered  }
0x9b: {  	s22 =	simm.s32 $0x1BFF;
	s21 =	sshll.u32 s6, $0x1;
	s3 =	sadd.s32 s4, s19  }
0x9c: {  	s7 =	simm.s32 $0x0;
	s20 =	sshll.u32 s5, $0x1;
	s5 =	sadd.s32 s21, s3  }
0x9d: {  	[timem:s7], [sflag:s22] =	dma.local [hbm:s5], s20  }
0x9e: {  	_ =	swait.ge [sflag:s22], s20  }
0x9f: {  	s4 =	ssub.s32 $0x0, s20;
	[sflag:s22] =	ssyncset.done $0x0  }
0xa0: {  	[sflag:s22] =	ssyncadd.s32 s4;
	_ =	sdelay $0x1  }
0xa1: {  	s23 =	simm.s32 $0x1B8B  }
0xa2: {  	_ =	swait.ge [sflag:s23], $0x1  }
0xa3: {  	[sflag:s23] =	ssyncset.done $0x0  }
0xa4: {  	s25 =	simm.s32 $0x1B8E;
	s24 =	sld [smem:$0x3FFE];
	[sflag:s23] =	ssyncadd.s32 $0xFFFFFFFF  }
0xa5: {  	s26 =	simm.s32 $execute0_lowered;
	[smem:$0x3FD2] =	sst s25  }
0xa6: {  	s5 =	sshll.u32 s26, $0x1;
	_ =	strace $0x8000004C;
	[dreg:$0x1] =	wrdreg $0xFFFFFFFF  }
0xa7: {  	s28 =	simm.s32 $_size_execute0_lowered;
	s3 =	sadd.s32 s3, s5;
	[dreg:$0x0] =	wrdreg $0x0  }
0xa8: {  	s5 =	sshll.u32 s28, $0x1;
	[dreg:$0x2] =	wrdreg s3  }
0xa9: {  	[dreg:$0x3] =	wrdreg s5  }
0xaa: {  	[dreg:$0x4] =	wrdreg $0xC0  }
0xab: {  	_ =	task [dreg:s7], $0x5FFFF  }
0xac: {  	[dreg:$0x1] =	wrdreg $0xFFFFFFFF  }
0xad: {  	[dreg:$0x0] =	wrdreg $0x60  }
0xae: {  	[dreg:$0x2] =	wrdreg s24  }
0xaf: {  	[dreg:$0x3] =	wrdreg s2  }
0xb0: {  	[dreg:$0x4] =	wrdreg $0xBE200  }
0xb1: {  	[dreg:$0x5] =	wrdreg $0x9  }
0xb2: {  	_ =	task.clear_ibuf [dreg:s7], $0x6FFFF;
	_ =	strace $0x9000004C  }
0xb3: {  	s29 =	simm.s32 $0x9;
	_ =	strace $0x8000004E  }
0xb4: {  	_ =	swait.ge [sflag:s29], $0x1  }
0xb5: {  	[sflag:s29] =	ssyncadd.s32 $0xFFFFFFFF  }
0xb6: {  	_ =	strace $0x9000004E  }
0xb7: {  	_ =	sfence  }
0xb8: {  	s30 =	sld [smem:$0x0];
	_ =	sdelay $0x2  }
0xb9: {  	s31 =	sshll.u32 s1, $0xD;
	s1 =	sshrl.u32 s1, $0x2  }
0xba: {  	s3 =	sand.u32 $0x4000, s31;
	s1 =	sadd.s32 s1, s30  }
0xbb: {  	s0 =	sor.u32 s3, s0;
	s1 =	sshll.u32 s1, $0x11  }
0xbc: {  	s0 =	sor.u32 s1, s0  }
0xbd: {  	s0 =	sadd.s32 $0x8F2B, s0  }
0xbe: {  	[sflag:s0] =	ssyncadd.remote.s32 $0x1  }
0xbf: {  	_ =	sfence.sel $0xFFFF  }
0xc0: {  	[dreg:$0x0] =	wrdreg $0xFFFFFFFF;
	(pc) =	sbr.abs _section_cstart, $3  }
0xc1: {  	[dreg:$0x1] =	wrdreg $0xFFFFFFFF  }
0xc2: {  	_ =	task.clear_ibuf [dreg:s7], $0x2FFFF;
	_ =	strace $0x9FFFFFFF  }
0xc3: {  	(tm) =	ssettm $0x7FFFFFFF  }
tec
execute0_lowered:
.L_overlay_start_1:
0x0: {  	(tag) =	ssettag $0x1  }
0x1: {  	s5 =	rddreg [dreg:$0x0]  }
0x2: {  	s7 =	rddreg [dreg:$0x1]  }
0x3: {  	s2 =	rddreg [dreg:$0x2]  }
0x4: {  	s0 =	rddreg [dreg:$0x3];
	s3 =	simm.s32 $0x0;
	s4 =	srdreg.scid  }
0x5: {  	s1 =	stileid.u32;
	s14 =	simm.s32 $0x70;
	s15 =	simm.s32 $0x4E20  }
0x6: {  	s16 =	simm.s32 $0x8620;
	s17 =	simm.s32 $0x1;
	s18 =	simm.s32 $0x2  }
0x7: {  	s19 =	simm.s32 $0x20;
	s20 =	simm.s32 $0x26F0;
	s21 =	simm.s32 $0x4D90  }
0x8: {  	s22 =	simm.s32 $0x4E00;
	s23 =	simm.s32 $0x0;
	s6 =	sand.u32 $0x1, s4  }
0x9: {  	s31 =	sshll.u32 s1, $0x1;
	s8 =	smul.u32 $0x13880, s1;
	[smem:$0x7FF] =	sst s3  }
0xa: {  	s12 =	sshll.u32 s1, $0x6;
	s4 =	sor.u32 s6, s31;
	s9 =	smul.u32 $0x138800, s6  }
0xb: {  	_ =	strace $0x8000004D;
	s6 =	ssub.s32 $0x2, s6;
	s12 =	sor.u32 $0x1C03, s12  }
0xc: {  	s10 =	smul.u32 $0x4E2, s4;
	s4 =	sadd.s32 $0x66600, s5;
	s11 =	sshrl.u32 s6, $0x1  }
0xd: {  	s13 =	sadd.s32 s8, s2;
	s9 =	sadd.s32 s8, s9;
	s11 =	ssub.s32 s6, s11  }
0xe: {  	s8 =	sshrl.u32 s8, $0x3;
	s13 =	sshrl.u32 s13, $0x3;
	s9 =	sshrl.u32 s9, $0x3  }
0xf: {  	s10 =	sadd.s32 s10, s5;
	s7 =	sadd.s32 s7, s8;
	s9 =	sadd.s32 s9, s5  }
0x10: {  	s5 =	sadd.s32 $0xC800, s10;
	s6 =	sadd.s32 $0x2A00, s10;
	s10 =	simm.s32 $0x3  }
0x11: {  	s8 =	sadd.s32 $0x8E600, s9;
	s9 =	smax.u32 s11, $0x1;
	s11 =	simm.s32 $0x2710  }
.LBB2_1:
0x12: {  	[tilespmem:s3], [sflag:$0x3] =	stream.linear.gather [hbm4b:s5+s3], $0x2710, $0x38;
	[tilespmem:$0x1F6A0] =	vst v63  }
0x13: {  	_ =	swait.ge [sflag:s10], $0x2710  }
0x14: {  	[sflag:s10] =	ssyncset.done $0x0  }
0x15: {  	[sflag:s10] =	ssyncadd.s32 $0xFFFFD8F0  }
0x16: {  	[tilespmem:s11], [sflag:$0x3] =	stream.linear.gather [hbm4b:s6+s3], $0x2710, $0x38;
	[tilespmem:$0x1F6A0] =	vst v63  }
0x17: {  	_ =	swait.ge [sflag:s10], $0x2710  }
0x18: {  	[sflag:s10] =	ssyncset.done $0x0  }
0x19: {  	[sflag:s10] =	ssyncadd.s32 $0xFFFFD8F0  }
0x1a: {  	[spmem:s13], [sflag:s12] =	dma.local [hbm:s7], $0x2710  }
0x1b: {  	_ =	swait.ge [sflag:s10], $0x2710  }
0x1c: {  	[sflag:s10] =	ssyncset.done $0x0  }
0x1d: {  	[sflag:s10] =	ssyncadd.s32 $0xFFFFD8F0  }
0x1e: {  	[bflag:$0x0] =	sbarrier.arrive $0xFFFF  }
0x1f: {  	[tilespmem:s15], [sflag:$0x1] =	stream.indirect.gather [hbm4b:s4+s14], $0x80, s3, s14, $0xb8;
	[tilespmem:$0x1F6A0] =	vst v63  }
0x20: {  	s24 =	simm.s32 $0x70  }
0x21: {  	[tilespmem:s16], [sflag:$0x2] =	stream.indirect.gather [hbm4b:s4+s14], $0x80, s24, s14, $0xb8;
	[tilespmem:$0x1F6A0] =	vst v63  }
0x22: {  	_ =	swait.ge [sflag:s17], $0x3800  }
0x23: {  	[sflag:s17] =	ssyncset.done $0x0  }
0x24: {  	s29 =	simm.s32 $0x2710;
	[sflag:s17] =	ssyncadd.s32 $0xFFFFC800  }
0x25: {  	[spmem:s2] =	stream.indirect.scatter.add.f32 [tilespmem:s15], [sflag:$0x3], $0x80, s29, s14, $0xb8;
	[tilespmem:$0x1F6A0] =	vst v63  }
0x26: {  	_ =	swait.ge [sflag:s10], $0x3800  }
0x27: {  	[sflag:s10] =	ssyncset.done $0x0  }
0x28: {  	s30 =	simm.s32 $0xE0;
	[sflag:s10] =	ssyncadd.s32 $0xFFFFC800  }
0x29: {  	[tilespmem:s15], [sflag:$0x1] =	stream.indirect.gather [hbm4b:s4+s14], $0x80, s30, s14, $0xb8;
	[tilespmem:$0x1F6A0] =	vst v63  }
0x2a: {  	_ =	swait.ge [sflag:s18], $0x3800  }
0x2b: {  	[sflag:s18] =	ssyncset.done $0x0  }
0x2c: {  	s31 =	simm.s32 $0x2780;
	[sflag:s18] =	ssyncadd.s32 $0xFFFFC800  }
0x2d: {  	[spmem:s2] =	stream.indirect.scatter.add.f32 [tilespmem:s16], [sflag:$0x3], $0x80, s31, s14, $0xb8;
	[tilespmem:$0x1F6A0] =	vst v63  }
0x2e: {  	_ =	swait.ge [sflag:s10], $0x3800  }
0x2f: {  	s25 =	simm.s32 $0x700;
	s24 =	simm.s32 $0xE0;
	[sflag:s10] =	ssyncset.done $0x0  }
.LBB2_2:
0x30: {  	s26 =	sadd.s32 $0x70, s24  }
0x31: {  	[sflag:s10] =	ssyncadd.s32 $0xFFFFC800;
	s28 =	smov.u32 s25;
	s29 =	sadd.s32 $0x380, s25  }
0x32: {  	[tilespmem:s16], [sflag:$0x2] =	stream.indirect.gather [hbm4b:s4+s14], $0x80, s26, s14, $0xb8;
	[tilespmem:$0x1F6A0] =	vst v63  }
0x33: {  	p0 =	sne.s32 s25, $0x9680;
	_ =	swait.ge [sflag:s17], $0x3800  }
0x34: {  	[sflag:s17] =	ssyncset.done $0x0  }
0x35: {  	s25 =	sadd.s32 $0x2710, s24;
	[sflag:s17] =	ssyncadd.s32 $0xFFFFC800  }
0x36: {  	[spmem:s2] =	stream.indirect.scatter.add.f32 [tilespmem:s15], [sflag:$0x3], $0x80, s25, s14, $0xb8;
	[tilespmem:$0x1F6A0] =	vst v63  }
0x37: {  	_ =	swait.ge [sflag:s10], $0x3800  }
0x38: {  	[sflag:s10] =	ssyncset.done $0x0  }
0x39: {  	s25 =	sadd.s32 $0xE0, s24;
	[sflag:s10] =	ssyncadd.s32 $0xFFFFC800  }
0x3a: {  	[tilespmem:s15], [sflag:$0x1] =	stream.indirect.gather [hbm4b:s4+s14], $0x80, s25, s14, $0xb8;
	[tilespmem:$0x1F6A0] =	vst v63  }
0x3b: {  	_ =	swait.ge [sflag:s18], $0x3800  }
.Ltmp0:
0x3c: {  	[sflag:s18] =	ssyncset.done $0x0;
	(pc) =	sbr.rel @p0 .LBB2_2-.Ltmp0, $4  }
0x3d: {  	s24 =	sadd.s32 $0x2780, s24;
	[sflag:s18] =	ssyncadd.s32 $0xFFFFC800  }
0x3e: {  	[spmem:s2] =	stream.indirect.scatter.add.f32 [tilespmem:s16], [sflag:$0x3], $0x80, s24, s14, $0xb8;
	[tilespmem:$0x1F6A0] =	vst v63  }
0x3f: {  	_ =	swait.ge [sflag:s10], $0x3800  }
0x40: {  	s25 =	smov.u32 s29;
	s24 =	sshra.s32 s28, $0x2;
	[sflag:s10] =	ssyncset.done $0x0  }
0x41: {  	s25 =	sadd.s32 $0x70, s24;
	[sflag:s10] =	ssyncadd.s32 $0xFFFFC800  }
0x42: {  	[tilespmem:s16], [sflag:$0x2] =	stream.indirect.gather [hbm4b:s4+s14], $0x80, s25, s14, $0xb8;
	[tilespmem:$0x1F6A0] =	vst v63  }
0x43: {  	_ =	swait.ge [sflag:s17], $0x3800  }
0x44: {  	[sflag:s17] =	ssyncset.done $0x0  }
0x45: {  	s29 =	sadd.s32 $0x2710, s24;
	[sflag:s17] =	ssyncadd.s32 $0xFFFFC800  }
0x46: {  	[spmem:s2] =	stream.indirect.scatter.add.f32 [tilespmem:s15], [sflag:$0x3], $0x80, s29, s14, $0xb8;
	[tilespmem:$0x1F6A0] =	vst v63  }
0x47: {  	_ =	swait.ge [sflag:s10], $0x3800  }
0x48: {  	[sflag:s10] =	ssyncset.done $0x0  }
0x49: {  	s30 =	sadd.s32 $0xE0, s24;
	[sflag:s10] =	ssyncadd.s32 $0xFFFFC800  }
0x4a: {  	[tilespmem:s15], [sflag:$0x1] =	stream.indirect.gather [hbm4b:s4+s14], $0x80, s30, s14, $0xb8;
	[tilespmem:$0x1F6A0] =	vst v63  }
0x4b: {  	_ =	swait.ge [sflag:s18], $0x3800  }
0x4c: {  	[sflag:s18] =	ssyncset.done $0x0  }
0x4d: {  	s31 =	sadd.s32 $0x2780, s24;
	[sflag:s18] =	ssyncadd.s32 $0xFFFFC800  }
0x4e: {  	[spmem:s2] =	stream.indirect.scatter.add.f32 [tilespmem:s16], [sflag:$0x3], $0x80, s31, s14, $0xb8;
	[tilespmem:$0x1F6A0] =	vst v63  }
0x4f: {  	_ =	swait.ge [sflag:s10], $0x3800  }
0x50: {  	[sflag:s10] =	ssyncset.done $0x0  }
0x51: {  	[sflag:s10] =	ssyncadd.s32 $0xFFFFC800  }
0x52: {  	[tilespmem:s16], [sflag:$0x2] =	stream.indirect.gather [hbm4b:s4+s19], $0x80, s20, s19, $0xb8;
	[tilespmem:$0x1F6A0] =	vst v63  }
0x53: {  	_ =	swait.ge [sflag:s17], $0x3800  }
0x54: {  	[sflag:s17] =	ssyncset.done $0x0  }
0x55: {  	[sflag:s17] =	ssyncadd.s32 $0xFFFFC800  }
0x56: {  	[spmem:s2] =	stream.indirect.scatter.add.f32 [tilespmem:s15], [sflag:$0x3], $0x80, s21, s14, $0xb8;
	[tilespmem:$0x1F6A0] =	vst v63  }
0x57: {  	_ =	swait.ge [sflag:s10], $0x3800  }
0x58: {  	[sflag:s10] =	ssyncset.done $0x0  }
0x59: {  	[sflag:s10] =	ssyncadd.s32 $0xFFFFC800  }
0x5a: {  	_ =	swait.ge [sflag:s18], $0x1000  }
0x5b: {  	[sflag:s18] =	ssyncset.done $0x0  }
0x5c: {  	[sflag:s18] =	ssyncadd.s32 $0xFFFFF000  }
0x5d: {  	[spmem:s2] =	stream.indirect.scatter.add.f32 [tilespmem:s16], [sflag:$0x3], $0x80, s22, s19, $0xb8;
	[tilespmem:$0x1F6A0] =	vst v63  }
0x5e: {  	_ =	swait.ge [sflag:s10], $0x1000  }
0x5f: {  	s23 =	sadd.s32 $0x1, s23;
	[sflag:s10] =	ssyncset.done $0x0  }
0x60: {  	p0 =	sne.s32 s23, s9;
	[sflag:s10] =	ssyncadd.s32 $0xFFFFF000  }
.Ltmp1:
0x61: {  	[bflag:$0x0] =	sbarrier.arrive $0xFFFF;
	(pc) =	sbr.rel @p0 .LBB2_1-.Ltmp1, $4  }
0x62: {  	[hbm:s8], [sflag:s12] =	dma.local [spmem:s13], $0x2710  }
0x63: {  	_ =	swait.ge [sflag:s10], $0x2710  }
0x64: {  	[sflag:s10] =	ssyncset.done $0x0  }
0x65: {  	[sflag:s10] =	ssyncadd.s32 $0xFFFFD8F0  }
0x66: {  	_ =	sfence.sel $0x180000  }
0x67: {  	[bflag:$0x0] =	sbarrier.arrive $0xFFFF  }
0x68: {  	p0 =	sne.s32 s1, $0x0;
	_ =	strace $0x9000004D  }
0x69: {  	s0 =	sadd.s32 @!p0 $0x100000, s0;
	[bflag:$0x2] =	sbarrier.arrive $0xFFFF  }
0x6a: {  	[sflag:s0] =	ssyncadd.tile.s32 @!p0 $0x1;
	_ =	shalt  }
.Lfunc_end2:
_tile_overlayer_lowered:
.L_overlay_start_2:
0x6b: {  	(tag) =	ssettag $0x2  }
0x6c: {  	s0 =	rddreg [dreg:$0x0];
	s2 =	stileid.u32  }
0x6d: {  	s1 =	rddreg [dreg:$0x1];
	p0 =	sne.s32 s2, $0x0  }
0x6e: {  	s3 =	rddreg [dreg:$0x2];
	[bflag:$0x3] =	sbarrier.arrive $0xFFFF;
	s2 =	simm.s32 @!p0 $0x1C03  }
0x6f: {  	[timem:s3], [sflag:s2] =	dma.local @!p0 [hbm:s0], s1  }
0x70: {  	s0 =	simm.s32 @!p0 $0x3  }
0x71: {  	_ =	swait.ge @!p0 [sflag:s0], s1  }
0x72: {  	s1 =	ssub.s32 @!p0 $0x0, s1;
	[sflag:s0] =	ssyncset.done @!p0 $0x0  }
0x73: {  	[sflag:s0] =	ssyncadd.s32 @!p0 s1  }
0x74: {  	[bflag:$0x3] =	sbarrier.arrive $0xFFFF  }
0x75: {  	_ =	shalt  }

// kernel: kernel.8.cloned.1.call-start
scs
__scs_entry_jumppad:
0x0: {  	(pc) =	sbr.rel $0x88, $3  }
0x1: {  	(tag) =	ssettag $0x0;
	lr =	simm.s32 $0x1  }
0x2: {  	[smem:$0x3F9B] =	sst lr;
	_ =	strace $0xD0000000  }
0x3: {  	_ = 	snop  }
0x4: {  	_ = 	snop  }
0x5: {  	_ = 	snop  }
0x6: {  	_ = 	snop  }
0x7: {  	_ = 	snop  }
__scs_overlays_trampoline_lowered:
0x8: {  	[smem:$0x3FAA] =	sst s0  }
0x9: {  	[smem:$0x3FAB] =	sst s1  }
0xa: {  	[smem:$0x3FAC] =	sst s2  }
0xb: {  	[smem:$0x3FAD] =	sst s3  }
0xc: {  	[smem:$0x3FAE] =	sst s4  }
0xd: {  	[smem:$0x3FAF] =	sst s5  }
0xe: {  	[smem:$0x3FB0] =	sst s6  }
0xf: {  	[smem:$0x3FB1] =	sst s7  }
0x10: {  	[smem:$0x3FB2] =	sst s8  }
0x11: {  	[smem:$0x3FB3] =	sst s9;
	s0 =	simm.s32 @!p0 $0x0  }
0x12: {  	s1 =	sld [smem:$0x3F99];
	s0 =	simm.s32 @p0 $0x1  }
0x13: {  	[smem:$0x3FB4] =	sst s0;
	s0 =	simm.s32 @!p1 $0x0  }
0x14: {  	s2 =	sld [smem:$0x3F98];
	s0 =	simm.s32 @p1 $0x1  }
0x15: {  	[smem:$0x3FB5] =	sst s0;
	s0 =	simm.s32 @!p2 $0x0  }
0x16: {  	s3 =	sld [smem:$0x3FDB];
	s0 =	simm.s32 @p2 $0x1  }
0x17: {  	s4 =	simm.s32 $0x1BF5;
	[smem:$0x3FB7] =	sst s0  }
0x18: {  	s0 =	sld [smem:$0x3F9A];
	_ =	swait.ge [sflag:s4], $0x0  }
0x19: {  	s7 =	sld [smem:$0x3F9B]  }
0x1a: {  	s8 =	sadd.s32 $0xFFFFE003, lr  }
0x1b: {  	s9 =	sadd.s32 $0xFFFFFEF7, lr;
	s5 =	simm.s32 $0xFFFFFFFF;
	p2 =	slt.u32 s8, $0xFFFFF086  }
0x1c: {  	p1 =	slt.u32 s9, $0xF7A;
	s5 =	simm.s32 @!p2 $0x0  }
0x1d: {  	s5 =	simm.s32 @p1 $0x1;
	p0 =	seq.s32 s7, s2  }
0x1e: {  	s7 =	smul.u32 @!p0 $0xF7A, s2;
	p2 =	seq.s32 @!p0 s5, $0x0  }
0x1f: {  	s9 =	smul.u32 $0xF7A, s1;
	s8 =	simm.s32 @!p0 $0x1BF5;
	p2 =	por !p2, p0  }
0x20: {  	[sflag:s8] =	ssyncset.s32 @!p0 $0xFFFFF086;
	s6 =	sadd.s32 @!p0 s3, s7;
	s7 =	simm.s32 @!p0 $0x108  }
0x21: {  	s3 =	sadd.s32 s3, s9;
	s6 =	sadd.s32 @!p0 $0x88, s6;
	s7 =	simm.s32 @p2 $0x1082  }
0x22: {  	[simem:s7], [sflag:s8] =	dma.local @!p0 [hbm:s6], $0xF7A  }
0x23: {  	s9 =	sor.u32 $0xD0000000, s2;
	s6 =	simm.s32 $0x108;
	_ =	swait.ge @!p0 [sflag:s8], $0x0  }
0x24: {  	s3 =	sadd.s32 $0x88, s3;
	s6 =	simm.s32 @!p1 $0x1082;
	[sflag:s4] =	ssyncset.s32 $0xFFFFF086  }
0x25: {  	[simem:s6], [sflag:s4] =	dma.local [hbm:s3], $0xF7A  }
0x26: {  	[smem:$0x3F9B] =	sst s1;
	(tag) =	ssettag s2;
	_ =	strace s9  }
0x27: {  	s1 =	sld [smem:$0x3FAB]  }
0x28: {  	s2 =	sld [smem:$0x3FAC]  }
0x29: {  	s4 =	sld [smem:$0x3FAE]  }
0x2a: {  	p0 =	seq.s32 s5, $0x0;
	s5 =	sld [smem:$0x3FAF]  }
0x2b: {  	s6 =	sld [smem:$0x3FB0]  }
0x2c: {  	s7 =	sld [smem:$0x3FB1]  }
0x2d: {  	s3 =	simm.s32 $0x108;
	s8 =	sld [smem:$0x3FB2]  }
0x2e: {  	s3 =	simm.s32 @!p0 $0x1082;
	s9 =	sld [smem:$0x3FB3]  }
0x2f: {  	lr =	sadd.s32 s0, s3;
	s0 =	sld [smem:$0x3FAA]  }
0x30: {  	s3 =	sld [smem:$0x3FAD]  }
0x31: {  	[smem:$0x3FB6] =	sst s10  }
0x32: {  	s10 =	sld [smem:$0x3FB4];
	_ =	sdelay $0x3  }
0x33: {  	p0 =	seq.s32 s10, $0x1;
	s10 =	sld [smem:$0x3FB6];
	_ =	sdelay $0x3  }
0x34: {  	[smem:$0x3FB6] =	sst s10  }
0x35: {  	s10 =	sld [smem:$0x3FB5];
	_ =	sdelay $0x3  }
0x36: {  	p1 =	seq.s32 s10, $0x1;
	s10 =	sld [smem:$0x3FB6];
	_ =	sdelay $0x3  }
0x37: {  	[smem:$0x3FB6] =	sst s10  }
0x38: {  	s10 =	sld [smem:$0x3FB7]  }
0x39: {  	_ = 	snop;
	(pc) =	sbr.ind lr, $3  }
0x3a: {  	_ = 	snop  }
0x3b: {  	_ = 	snop  }
0x3c: {  	p2 =	seq.s32 s10, $0x1;
	s10 =	sld [smem:$0x3FB6]  }
0x3d: {  	_ =	shalt  }
0x3e: {  	_ =	shalt  }
0x3f: {  	_ =	shalt  }
0x40: {  	_ =	shalt  }
0x41: {  	_ =	shalt  }
0x42: {  	_ =	shalt  }
0x43: {  	_ =	shalt  }
0x44: {  	_ =	shalt  }
0x45: {  	_ =	shalt  }
0x46: {  	_ =	shalt  }
0x47: {  	_ =	shalt  }
0x48: {  	_ =	shalt  }
0x49: {  	_ =	shalt  }
0x4a: {  	_ =	shalt  }
0x4b: {  	_ =	shalt  }
0x4c: {  	_ =	shalt  }
0x4d: {  	_ =	shalt  }
0x4e: {  	_ =	shalt  }
0x4f: {  	_ =	shalt  }
0x50: {  	_ =	shalt  }
0x51: {  	_ =	shalt  }
0x52: {  	_ =	shalt  }
0x53: {  	_ =	shalt  }
0x54: {  	_ =	shalt  }
0x55: {  	_ =	shalt  }
0x56: {  	_ =	shalt  }
0x57: {  	_ =	shalt  }
0x58: {  	_ =	shalt  }
0x59: {  	_ =	shalt  }
0x5a: {  	_ =	shalt  }
0x5b: {  	_ =	shalt  }
0x5c: {  	_ =	shalt  }
0x5d: {  	_ =	shalt  }
0x5e: {  	_ =	shalt  }
0x5f: {  	_ =	shalt  }
0x60: {  	_ =	shalt  }
0x61: {  	_ =	shalt  }
0x62: {  	_ =	shalt  }
0x63: {  	_ =	shalt  }
0x64: {  	_ =	shalt  }
0x65: {  	_ =	shalt  }
0x66: {  	_ =	shalt  }
0x67: {  	_ =	shalt  }
0x68: {  	_ =	shalt  }
0x69: {  	_ =	shalt  }
0x6a: {  	_ =	shalt  }
0x6b: {  	_ =	shalt  }
0x6c: {  	_ =	shalt  }
0x6d: {  	_ =	shalt  }
0x6e: {  	_ =	shalt  }
0x6f: {  	_ =	shalt  }
0x70: {  	_ =	shalt  }
0x71: {  	_ =	shalt  }
0x72: {  	_ =	shalt  }
0x73: {  	_ =	shalt  }
0x74: {  	_ =	shalt  }
0x75: {  	_ =	shalt  }
0x76: {  	_ =	shalt  }
0x77: {  	_ =	shalt  }
0x78: {  	_ =	shalt  }
0x79: {  	_ =	shalt  }
0x7a: {  	_ =	shalt  }
0x7b: {  	_ =	shalt  }
0x7c: {  	_ =	shalt  }
0x7d: {  	_ =	shalt  }
0x7e: {  	_ =	shalt  }
0x7f: {  	_ =	shalt  }
0x80: {  	_ =	shalt  }
0x81: {  	_ =	shalt  }
0x82: {  	_ =	shalt  }
0x83: {  	_ =	shalt  }
0x84: {  	_ =	shalt  }
0x85: {  	_ =	shalt  }
0x86: {  	_ =	shalt  }
0x87: {  	_ =	shalt  }
.Lfunc_end0:
.L_simem_size_0:
called_computation_lowered:
.L_overlay_start_0:
0x88: {  	s2 =	sld [smem:$0x3FD9]  }
0x89: {  	s3 =	sld [smem:$0x3FFE];
	_ =	sdelay $0x1  }
0x8a: {  	s1 =	srdreg.scid  }
0x8b: {  	s0 =	sand.u32 $0x1, s1  }
0x8c: {  	s17 =	sshll.u32 s0, $0xA;
	s2 =	sadd.s32 s3, s2  }
0x8d: {  	s2 =	sadd.s32 s2, s17  }
0x8e: {  	[smem:$0x3FC2] =	sst s2  }
0x8f: {  	_ = 	snop  }
0x90: {  	s2 =	sld [smem:$0x3FD0];
	(tm) =	ssettm $0x1  }
0x91: {  	s18 =	sld [smem:$0x3FFB];
	_ =	sdelay $0x3  }
0x92: {  	_ =	strace s18  }
0x93: {  	s3 =	sld [smem:$0x3FFC];
	_ =	sdelay $0x3  }
0x94: {  	_ =	strace s3  }
0x95: {  	s3 =	sld [smem:$0x3FFD];
	_ =	sdelay $0x3  }
0x96: {  	_ =	strace s3  }
0x97: {  	_ =	strace $0x8FFFFFFF  }
0x98: {  	s19 =	sld [smem:$0x3FDB];
	_ =	sdelay $0x1  }
0x99: {  	s4 =	simm.s32 $_scs_section_size  }
0x9a: {  	s5 =	simm.s32 $_size__tile_overlayer_lowered;
	s6 =	simm.s32 $_tile_overlayer_lowered  }
0x9b: {  	s22 =	simm.s32 $0x1BFF;
	s21 =	sshll.u32 s6, $0x1;
	s3 =	sadd.s32 s4, s19  }
0x9c: {  	s7 =	simm.s32 $0x0;
	s20 =	sshll.u32 s5, $0x1;
	s5 =	sadd.s32 s21, s3  }
0x9d: {  	[timem:s7], [sflag:s22] =	dma.local [hbm:s5], s20  }
0x9e: {  	_ =	swait.ge [sflag:s22], s20  }
0x9f: {  	s4 =	ssub.s32 $0x0, s20;
	[sflag:s22] =	ssyncset.done $0x0  }
0xa0: {  	[sflag:s22] =	ssyncadd.s32 s4;
	_ =	sdelay $0x1  }
0xa1: {  	s23 =	simm.s32 $0x1B8B  }
0xa2: {  	_ =	swait.ge [sflag:s23], $0x1  }
0xa3: {  	[sflag:s23] =	ssyncset.done $0x0  }
0xa4: {  	s25 =	simm.s32 $0x1B8E;
	s24 =	sld [smem:$0x3FFE];
	[sflag:s23] =	ssyncadd.s32 $0xFFFFFFFF  }
0xa5: {  	s26 =	simm.s32 $execute0_lowered;
	[smem:$0x3FD2] =	sst s25  }
0xa6: {  	s5 =	sshll.u32 s26, $0x1;
	_ =	strace $0x80000046;
	[dreg:$0x1] =	wrdreg $0xFFFFFFFF  }
0xa7: {  	s28 =	simm.s32 $_size_execute0_lowered;
	s3 =	sadd.s32 s3, s5;
	[dreg:$0x0] =	wrdreg $0x0  }
0xa8: {  	s5 =	sshll.u32 s28, $0x1;
	[dreg:$0x2] =	wrdreg s3  }
0xa9: {  	[dreg:$0x3] =	wrdreg s5  }
0xaa: {  	[dreg:$0x4] =	wrdreg $0xC0  }
0xab: {  	_ =	task [dreg:s7], $0x5FFFF  }
0xac: {  	[dreg:$0x1] =	wrdreg $0xFFFFFFFF  }
0xad: {  	[dreg:$0x0] =	wrdreg $0x60  }
0xae: {  	[dreg:$0x2] =	wrdreg s24  }
0xaf: {  	[dreg:$0x3] =	wrdreg s2  }
0xb0: {  	[dreg:$0x4] =	wrdreg $0x52200  }
0xb1: {  	[dreg:$0x5] =	wrdreg $0x9  }
0xb2: {  	_ =	task.clear_ibuf [dreg:s7], $0x6FFFF;
	_ =	strace $0x90000046  }
0xb3: {  	s29 =	simm.s32 $0x9;
	_ =	strace $0x80000048  }
0xb4: {  	_ =	swait.ge [sflag:s29], $0x1  }
0xb5: {  	[sflag:s29] =	ssyncadd.s32 $0xFFFFFFFF  }
0xb6: {  	_ =	strace $0x90000048  }
0xb7: {  	_ =	sfence  }
0xb8: {  	s30 =	sld [smem:$0x0];
	_ =	sdelay $0x2  }
0xb9: {  	s31 =	sshll.u32 s1, $0xD;
	s1 =	sshrl.u32 s1, $0x2  }
0xba: {  	s3 =	sand.u32 $0x4000, s31;
	s1 =	sadd.s32 s1, s30  }
0xbb: {  	s0 =	sor.u32 s3, s0;
	s1 =	sshll.u32 s1, $0x11  }
0xbc: {  	s0 =	sor.u32 s1, s0  }
0xbd: {  	s0 =	sadd.s32 $0x8F2B, s0  }
0xbe: {  	[sflag:s0] =	ssyncadd.remote.s32 $0x1  }
0xbf: {  	_ =	sfence.sel $0xFFFF  }
0xc0: {  	[dreg:$0x0] =	wrdreg $0xFFFFFFFF;
	(pc) =	sbr.abs _section_cstart, $3  }
0xc1: {  	[dreg:$0x1] =	wrdreg $0xFFFFFFFF  }
0xc2: {  	_ =	task.clear_ibuf [dreg:s7], $0x2FFFF;
	_ =	strace $0x9FFFFFFF  }
0xc3: {  	(tm) =	ssettm $0x7FFFFFFF  }
tec
execute0_lowered:
.L_overlay_start_1:
0x0: {  	(tag) =	ssettag $0x1  }
0x1: {  	s8 =	rddreg [dreg:$0x0]  }
0x2: {  	s7 =	rddreg [dreg:$0x1]  }
0x3: {  	s2 =	rddreg [dreg:$0x2]  }
0x4: {  	s0 =	rddreg [dreg:$0x3];
	s3 =	simm.s32 $0x0;
	s1 =	stileid.u32  }
0x5: {  	s4 =	srdreg.scid;
	s15 =	simm.s32 $0x2;
	s16 =	simm.s32 $0x4D80  }
0x6: {  	s17 =	simm.s32 $0x20;
	s18 =	simm.s32 $0x4E00;
	s19 =	simm.s32 $0x0  }
0x7: {  	[smem:$0x7FF] =	sst s3;
	s6 =	smul.u32 $0x1400, s1;
	s9 =	sand.u32 $0x1, s4  }
0x8: {  	s4 =	sadd.s32 $0x16600, s8;
	s30 =	sshll.u32 s1, $0x6;
	s31 =	smul.u32 $0x9C4, s1  }
0x9: {  	_ =	strace $0x80000047;
	s5 =	ssub.s32 $0x2, s9;
	s12 =	smul.u32 $0x14000, s9  }
0xa: {  	p0 =	seq.s32 s9, $0x1;
	s9 =	simm.s32 $0x2A00;
	s10 =	sshrl.u32 s6, $0x3  }
0xb: {  	s11 =	sshrl.u32 s5, $0x1;
	s13 =	sadd.s32 s6, s2;
	s9 =	simm.s32 @!p0 $0xC800  }
0xc: {  	s10 =	sadd.s32 s10, s8;
	s11 =	ssub.s32 s5, s11;
	s6 =	sadd.s32 s6, s12  }
0xd: {  	s9 =	sadd.s32 s9, s8;
	s12 =	simm.s32 $0x4E20;
	s5 =	sadd.s32 $0x16800, s10  }
0xe: {  	s14 =	sshrl.u32 s6, $0x3;
	s6 =	sor.u32 $0x1C03, s30;
	s8 =	smax.u32 s11, $0x1  }
0xf: {  	s9 =	sadd.s32 s9, s31;
	s10 =	sshrl.u32 s13, $0x3;
	s11 =	simm.s32 $0x3  }
0x10: {  	s13 =	simm.s32 $0x80;
	s7 =	sadd.s32 s7, s14;
	s14 =	simm.s32 $0x1  }
.LBB2_1:
0x11: {  	[spmem:s10], [sflag:s6] =	dma.local [hbm:s5], $0x280  }
0x12: {  	_ =	swait.ge [sflag:s11], $0x280  }
0x13: {  	[sflag:s11] =	ssyncset.done $0x0  }
0x14: {  	[sflag:s11] =	ssyncadd.s32 $0xFFFFFD80  }
0x15: {  	[tilespmem:s12], [sflag:$0x3] =	stream.linear.gather [hbm4b:s4+s3], $0x400, $0x38;
	[tilespmem:$0x6620] =	vst v63  }
0x16: {  	_ =	swait.ge [sflag:s11], $0x400  }
0x17: {  	[sflag:s11] =	ssyncset.done $0x0  }
0x18: {  	[sflag:s11] =	ssyncadd.s32 $0xFFFFFC00  }
0x19: {  	[tilespmem:s3], [sflag:$0x3] =	stream.linear.gather [hbm4b:s9+s3], $0x4E20, $0x38;
	[tilespmem:$0x6620] =	vst v63  }
0x1a: {  	_ =	swait.ge [sflag:s11], $0x4E20  }
0x1b: {  	[sflag:s11] =	ssyncset.done $0x0  }
0x1c: {  	[sflag:s11] =	ssyncadd.s32 $0xFFFFB1E0  }
0x1d: {  	[bflag:$0x0] =	sbarrier.arrive $0xFFFF  }
0x1e: {  	[spmem:s2] =	stream.indirect.scatter.add.f32 [tilespmem:s12], [sflag:$0x1], $0x8, s3, s13, $0xb8;
	[tilespmem:$0x6620] =	vst v63  }
0x1f: {  	s20 =	simm.s32 $0x80  }
0x20: {  	[spmem:s2] =	stream.indirect.scatter.add.f32 [tilespmem:s12], [sflag:$0x2], $0x8, s20, s13, $0xb8;
	[tilespmem:$0x6620] =	vst v63  }
0x21: {  	_ =	swait.ge [sflag:s14], $0x400  }
0x22: {  	[sflag:s14] =	ssyncset.done $0x0  }
0x23: {  	s31 =	simm.s32 $0x100;
	[sflag:s14] =	ssyncadd.s32 $0xFFFFFC00  }
0x24: {  	[spmem:s2] =	stream.indirect.scatter.add.f32 [tilespmem:s12], [sflag:$0x1], $0x8, s31, s13, $0xb8;
	[tilespmem:$0x6620] =	vst v63  }
0x25: {  	_ =	swait.ge [sflag:s15], $0x400  }
0x26: {  	s21 =	simm.s32 $0xFFFED400;
	s20 =	simm.s32 $0xFFFFB400;
	[sflag:s15] =	ssyncset.done $0x0  }
.LBB2_2:
0x27: {  	s22 =	sadd.s32 $0x4D80, s20  }
0x28: {  	[sflag:s15] =	ssyncadd.s32 $0xFFFFFC00;
	s23 =	smov.u32 s21;
	s24 =	sadd.s32 $0x400, s21  }
0x29: {  	[spmem:s2] =	stream.indirect.scatter.add.f32 [tilespmem:s12], [sflag:$0x2], $0x8, s22, s13, $0xb8;
	[tilespmem:$0x6620] =	vst v63  }
0x2a: {  	p0 =	sne.s32 s21, $0xFFFFFC00;
	_ =	swait.ge [sflag:s14], $0x400  }
.Ltmp0:
0x2b: {  	[sflag:s14] =	ssyncset.done $0x0;
	(pc) =	sbr.rel @p0 .LBB2_2-.Ltmp0, $4  }
0x2c: {  	s20 =	sadd.s32 $0x4E00, s20;
	[sflag:s14] =	ssyncadd.s32 $0xFFFFFC00  }
0x2d: {  	[spmem:s2] =	stream.indirect.scatter.add.f32 [tilespmem:s12], [sflag:$0x1], $0x8, s20, s13, $0xb8;
	[tilespmem:$0x6620] =	vst v63  }
0x2e: {  	_ =	swait.ge [sflag:s15], $0x400  }
0x2f: {  	s21 =	smov.u32 s24;
	s20 =	sshra.s32 s23, $0x2;
	[sflag:s15] =	ssyncset.done $0x0  }
0x30: {  	s21 =	sadd.s32 $0x4D80, s20;
	[sflag:s15] =	ssyncadd.s32 $0xFFFFFC00  }
0x31: {  	[spmem:s2] =	stream.indirect.scatter.add.f32 [tilespmem:s12], [sflag:$0x2], $0x8, s21, s13, $0xb8;
	[tilespmem:$0x6620] =	vst v63  }
0x32: {  	_ =	swait.ge [sflag:s14], $0x400  }
0x33: {  	[sflag:s14] =	ssyncset.done $0x0  }
0x34: {  	s31 =	sadd.s32 $0x4E00, s20;
	[sflag:s14] =	ssyncadd.s32 $0xFFFFFC00  }
0x35: {  	[spmem:s2] =	stream.indirect.scatter.add.f32 [tilespmem:s12], [sflag:$0x1], $0x8, s31, s13, $0xb8;
	[tilespmem:$0x6620] =	vst v63  }
0x36: {  	_ =	swait.ge [sflag:s15], $0x400  }
0x37: {  	[sflag:s15] =	ssyncset.done $0x0  }
0x38: {  	[sflag:s15] =	ssyncadd.s32 $0xFFFFFC00  }
0x39: {  	_ =	swait.ge [sflag:s14], $0x400  }
0x3a: {  	[sflag:s14] =	ssyncset.done $0x0  }
0x3b: {  	[sflag:s14] =	ssyncadd.s32 $0xFFFFFC00  }
0x3c: {  	[spmem:s2] =	stream.indirect.scatter.add.f32 [tilespmem:s12], [sflag:$0x2], $0x8, s16, s13, $0xb8;
	[tilespmem:$0x6620] =	vst v63  }
0x3d: {  	_ = 	snop  }
0x3e: {  	[spmem:s2] =	stream.indirect.scatter.add.f32 [tilespmem:s12], [sflag:$0x1], $0x8, s18, s17, $0xb8;
	[tilespmem:$0x6620] =	vst v63  }
0x3f: {  	_ =	swait.ge [sflag:s15], $0x400  }
0x40: {  	[sflag:s15] =	ssyncset.done $0x0  }
0x41: {  	[sflag:s15] =	ssyncadd.s32 $0xFFFFFC00  }
0x42: {  	_ =	swait.ge [sflag:s14], $0x100  }
0x43: {  	s19 =	sadd.s32 $0x1, s19;
	[sflag:s14] =	ssyncset.done $0x0  }
0x44: {  	p0 =	sne.s32 s19, s8;
	[sflag:s14] =	ssyncadd.s32 $0xFFFFFF00  }
.Ltmp1:
0x45: {  	[bflag:$0x0] =	sbarrier.arrive $0xFFFF;
	(pc) =	sbr.rel @p0 .LBB2_1-.Ltmp1, $4  }
0x46: {  	[hbm:s7], [sflag:s6] =	dma.local [spmem:s10], $0x280  }
0x47: {  	_ =	swait.ge [sflag:s11], $0x280  }
0x48: {  	[sflag:s11] =	ssyncset.done $0x0  }
0x49: {  	[sflag:s11] =	ssyncadd.s32 $0xFFFFFD80  }
0x4a: {  	_ =	sfence.sel $0x180000  }
0x4b: {  	[bflag:$0x0] =	sbarrier.arrive $0xFFFF  }
0x4c: {  	p0 =	sne.s32 s1, $0x0;
	_ =	strace $0x90000047  }
0x4d: {  	s0 =	sadd.s32 @!p0 $0x100000, s0;
	[bflag:$0x2] =	sbarrier.arrive $0xFFFF  }
0x4e: {  	[sflag:s0] =	ssyncadd.tile.s32 @!p0 $0x1;
	_ =	shalt  }
.Lfunc_end2:
_tile_overlayer_lowered:
.L_overlay_start_2:
0x4f: {  	(tag) =	ssettag $0x2  }
0x50: {  	s0 =	rddreg [dreg:$0x0];
	s2 =	stileid.u32  }
0x51: {  	s1 =	rddreg [dreg:$0x1];
	p0 =	sne.s32 s2, $0x0  }
0x52: {  	s3 =	rddreg [dreg:$0x2];
	[bflag:$0x3] =	sbarrier.arrive $0xFFFF;
	s2 =	simm.s32 @!p0 $0x1C03  }
0x53: {  	[timem:s3], [sflag:s2] =	dma.local @!p0 [hbm:s0], s1  }
0x54: {  	s0 =	simm.s32 @!p0 $0x3  }
0x55: {  	_ =	swait.ge @!p0 [sflag:s0], s1  }
0x56: {  	s1 =	ssub.s32 @!p0 $0x0, s1;
	[sflag:s0] =	ssyncset.done @!p0 $0x0  }
0x57: {  	[sflag:s0] =	ssyncadd.s32 @!p0 s1  }
0x58: {  	[bflag:$0x3] =	sbarrier.arrive $0xFFFF  }
0x59: {  	_ =	shalt  }

</sc_bundles>
